<compile_context>
chip_gen: v7x
topology: tpu7x:2x2x1
jax: 0.10.2.dev20260603
libtpu: 0.0.44.dev20260713+nightly
codegen_flags: <defaults>
</compile_context>

<pallas_src>
import functools

import jax
import jax.numpy as jnp
from jax import lax
from jax.experimental import pallas as pl
from jax.experimental.pallas import tpu as pltpu
from jax.experimental.pallas import tpu_sc as plsc

N_NODES = 10000
IN_DIM = 128
HID_DIM = 256
NUM_ASPECT = 8
ASPECT_DIM = 32
BATCH = 4096

DEG_W = 16
N_PAD = 10112
NCOLSUM = 16
COLSUM_BASE = N_PAD - NCOLSUM
DUMMY = N_NODES
NDUMMY = 64

NC, NS = 2, 16
NW = NC * NS
CHUNK = 96
PCHUNK = 128
ROWS_PER_TILE = N_PAD // NS


NBUF = 2
IDX_BITS = 14


def _edge_chunks(n_edges_total):
    per_w = -(-n_edges_total // (NW * CHUNK))
    return -(-per_w // NBUF) * NBUF


def _make_edge_scatter(n_chunks):
    mesh = plsc.VectorSubcoreMesh(core_axis_name="c", subcore_axis_name="s")

    @functools.partial(
        pl.kernel,
        mesh=mesh,
        compiler_params=pltpu.CompilerParams(use_tc_tiling_on_sc=False),
        out_type=(jax.ShapeDtypeStruct((NC, N_PAD, IN_DIM), jnp.float32),
                  jax.ShapeDtypeStruct((NC, N_PAD, DEG_W), jnp.float32)),
        scratch_types=[
            pltpu.VMEM((n_chunks, CHUNK), jnp.int32),
            pltpu.VMEM((NBUF, CHUNK), jnp.int32),
            pltpu.VMEM((1, CHUNK), jnp.int32),
            pltpu.VMEM((NBUF, CHUNK, IN_DIM), jnp.float32),
            pltpu.VMEM((CHUNK, DEG_W), jnp.float32),
            pltpu.VMEM_SHARED((N_PAD, IN_DIM), jnp.float32),
            pltpu.VMEM_SHARED((N_PAD, DEG_W), jnp.float32),
            pltpu.SemaphoreType.DMA,
        ],
    )
    def edge_scatter(feat_hbm, edges_hbm, zerof_hbm, zerod_hbm, ones_hbm,
                     outf_hbm, outd_hbm,
                     packed_v, usrc_v, udst_v, rows_v, ones_v,
                     accf_sh, accd_sh, gsem):
        cid = lax.axis_index("c")
        sid = lax.axis_index("s")
        wid = sid * NC + cid
        r0 = sid * ROWS_PER_TILE
        pltpu.sync_copy(zerof_hbm, accf_sh.at[pl.ds(r0, ROWS_PER_TILE)])
        pltpu.sync_copy(zerod_hbm, accd_sh.at[pl.ds(r0, ROWS_PER_TILE)])
        pltpu.sync_copy(edges_hbm.at[wid], packed_v)
        pltpu.sync_copy(ones_hbm, ones_v)
        plsc.subcore_barrier()

        def unpack_src(j, b):
            for k in range(CHUNK // 16):
                w = packed_v[j, pl.ds(k * 16, 16)]
                usrc_v[b, pl.ds(k * 16, 16)] = w & ((1 << IDX_BITS) - 1)

        def unpack_dst(j):
            for k in range(CHUNK // 16):
                w = packed_v[j, pl.ds(k * 16, 16)]
                udst_v[0, pl.ds(k * 16, 16)] = w >> IDX_BITS

        for b in range(NBUF):
            unpack_src(b, b)
            pltpu.async_copy(feat_hbm.at[usrc_v.at[b]], rows_v.at[b], gsem)

        def group(g, carry):
            for b in range(NBUF):
                j = g * NBUF + b
                pltpu.make_async_copy(
                    feat_hbm.at[usrc_v.at[b]], rows_v.at[b], gsem).wait()
                unpack_dst(j)
                pltpu.sync_copy(rows_v.at[b], accf_sh.at[udst_v.at[0]],
                                add=True)
                pltpu.sync_copy(ones_v, accd_sh.at[udst_v.at[0]], add=True)
                nj = j + NBUF

                @pl.when(nj < n_chunks)
                def _issue():
                    unpack_src(nj, b)
                    pltpu.async_copy(
                        feat_hbm.at[usrc_v.at[b]], rows_v.at[b], gsem)
            return carry

        lax.fori_loop(0, n_chunks // NBUF, group, 0)
        plsc.subcore_barrier()
        pltpu.sync_copy(accf_sh.at[pl.ds(r0, ROWS_PER_TILE)],
                        outf_hbm.at[cid, pl.ds(r0, ROWS_PER_TILE)])
        pltpu.sync_copy(accd_sh.at[pl.ds(r0, ROWS_PER_TILE)],
                        outd_hbm.at[cid, pl.ds(r0, ROWS_PER_TILE)])

    return edge_scatter


def _make_pair_gather():
    mesh = plsc.VectorSubcoreMesh(core_axis_name="c", subcore_axis_name="s")
    n_chunks = (2 * BATCH) // (NW * PCHUNK)

    @functools.partial(
        pl.kernel,
        mesh=mesh,
        out_type=jax.ShapeDtypeStruct((2 * BATCH, HID_DIM), jnp.float32),
        scratch_types=[
            pltpu.VMEM((n_chunks, PCHUNK), jnp.int32),
            pltpu.VMEM((PCHUNK, HID_DIM), jnp.float32),
            pltpu.SemaphoreType.DMA,
        ],
    )
    def pair_gather(x_hbm, idx_hbm, out_hbm, idx_v, rows_v, sem):
        cid = lax.axis_index("c")
        sid = lax.axis_index("s")
        wid = sid * NC + cid
        pltpu.sync_copy(idx_hbm.at[wid], idx_v)

        def body(j, carry):
            pltpu.async_copy(x_hbm.at[idx_v.at[j]], rows_v, sem).wait()
            pltpu.sync_copy(
                rows_v,
                out_hbm.at[pl.ds(wid * n_chunks * PCHUNK + j * PCHUNK, PCHUNK)])
            return carry

        lax.fori_loop(0, n_chunks, body, 0)

    return pair_gather


def _node_body(nf_ref, p0_ref, p1_ref, d0_ref, d1_ref, t0_ref, t1_ref,
               w1t_ref, b1_ref, out_ref):
    tail = t0_ref[COLSUM_BASE - N_NODES:, :] \
        + t1_ref[COLSUM_BASE - N_NODES:, :]
    mu = jnp.sum(tail, axis=0, keepdims=True) * (1.0 / N_NODES)
    s = p0_ref[0] + p1_ref[0]
    deg = d0_ref[0, :, 0:1] + d1_ref[0, :, 0:1]
    f = nf_ref[...]
    t = (f + mu) * (s + deg * mu) / jnp.maximum(deg, 1.0)
    out_ref[...] = jnp.dot(t, w1t_ref[...],
                           preferred_element_type=jnp.float32) + b1_ref[0:1, :]


def _head_body(p1_ref, p2_ref, wasp_ref, g_ref, gt_ref, wat_ref, wmg_ref,
               wc1_ref, wc2_ref, bc_ref, out_ref):
    def merge(p):
        q = jnp.dot(p, wasp_ref[...], preferred_element_type=jnp.float32)
        l = jnp.dot(q * wat_ref[0:1, :], g_ref[...],
                    preferred_element_type=jnp.float32)
        m = l - jnp.max(l, axis=1, keepdims=True)
        e = jnp.exp(m)
        sm = e / jnp.sum(e, axis=1, keepdims=True)
        ab = jnp.dot(sm, gt_ref[...], preferred_element_type=jnp.float32)
        return jnp.dot(ab * q * wmg_ref[0:1, :], g_ref[...],
                       preferred_element_type=jnp.float32)

    m1 = merge(p1_ref[...])
    m2 = merge(p2_ref[...])
    o = jnp.dot(m1, wc1_ref[...], preferred_element_type=jnp.float32) \
        + jnp.dot(m2, wc2_ref[...], preferred_element_type=jnp.float32) \
        + bc_ref[0:1, :]
    mx = jnp.max(o, axis=1, keepdims=True)
    out_ref[...] = o - mx - jnp.log(jnp.sum(jnp.exp(o - mx), axis=1,
                                            keepdims=True))


def kernel(input, node_feature, edge_index, W1, b1, Wasp, Wattn, battn,
           Wmerge, bmerge, Wc, bc):
    f32 = jnp.float32
    n_edges = edge_index.shape[1]

    fake_src = jnp.arange(N_NODES, dtype=jnp.int32)
    fake_dst = COLSUM_BASE + (fake_src % NCOLSUM)
    total = n_edges + N_NODES
    n_chunks = _edge_chunks(total)
    e_pad = NW * n_chunks * CHUNK
    npad = e_pad - total
    pad_src = jnp.zeros((npad,), jnp.int32)
    pad_dst = DUMMY + (jnp.arange(npad, dtype=jnp.int32) % NDUMMY)
    real = ((edge_index[1] << IDX_BITS) | edge_index[0]).reshape(NW, -1)
    tail = jnp.concatenate(
        [(fake_dst << IDX_BITS) | fake_src,
         (pad_dst << IDX_BITS) | pad_src]).reshape(NW, -1)
    packed = jnp.concatenate([real, tail], axis=1) \
        .reshape(NW, n_chunks, CHUNK)

    zero_f = jnp.zeros((ROWS_PER_TILE, IN_DIM), f32)
    zero_d = jnp.zeros((ROWS_PER_TILE, DEG_W), f32)
    ones_rows = jnp.zeros((CHUNK, DEG_W), f32).at[:, 0].set(1.0)
    pfeat, pdeg = _make_edge_scatter(n_chunks)(
        node_feature, packed, zero_f, zero_d, ones_rows)

    t0 = pfeat[0, N_NODES:]
    t1 = pfeat[1, N_NODES:]
    w1t = W1.T
    b1b = jnp.broadcast_to(b1[None, :], (8, HID_DIM))
    blk = 5000
    grid = N_NODES // blk
    x = pl.pallas_call(
        _node_body,
        grid=(grid,),
        in_specs=[
            pl.BlockSpec((blk, IN_DIM), lambda i: (i, 0)),
            pl.BlockSpec((1, blk, IN_DIM), lambda i: (0, i, 0)),
            pl.BlockSpec((1, blk, IN_DIM), lambda i: (1, i, 0)),
            pl.BlockSpec((1, blk, DEG_W), lambda i: (0, i, 0)),
            pl.BlockSpec((1, blk, DEG_W), lambda i: (1, i, 0)),
            pl.BlockSpec((N_PAD - N_NODES, IN_DIM), lambda i: (0, 0)),
            pl.BlockSpec((N_PAD - N_NODES, IN_DIM), lambda i: (0, 0)),
            pl.BlockSpec((IN_DIM, HID_DIM), lambda i: (0, 0)),
            pl.BlockSpec((8, HID_DIM), lambda i: (0, 0)),
        ],
        out_specs=pl.BlockSpec((blk, HID_DIM), lambda i: (i, 0)),
        out_shape=jax.ShapeDtypeStruct((N_NODES, HID_DIM), f32),
    )(node_feature, pfeat, pfeat, pdeg, pdeg, t0, t1, w1t, b1b)

    idx_flat = jnp.concatenate([input[:, 0], input[:, 1]]).astype(jnp.int32)
    idx_r = idx_flat.reshape(NW, (2 * BATCH) // (NW * PCHUNK), PCHUNK)
    pairs = _make_pair_gather()(x, idx_r)

    hid = NUM_ASPECT * ASPECT_DIM
    g = (jnp.arange(hid)[:, None] // ASPECT_DIM
         == jnp.arange(NUM_ASPECT)[None, :]).astype(f32)
    gt = g.T
    wat = jnp.broadcast_to(jnp.tile(Wattn[0], NUM_ASPECT)[None, :], (8, hid))
    wmg = jnp.broadcast_to(jnp.tile(Wmerge[0], NUM_ASPECT)[None, :], (8, hid))
    wc1 = Wc[:, :NUM_ASPECT].T
    wc2 = Wc[:, NUM_ASPECT:].T
    bc_eff = bc + bmerge[0] * jnp.sum(Wc, axis=1)
    bcb = jnp.broadcast_to(bc_eff[None, :], (8, 2))
    p_first = pairs[:BATCH]
    p_second = pairs[BATCH:]
    bblk = 2048
    bgrid = BATCH // bblk
    out = pl.pallas_call(
        _head_body,
        grid=(bgrid,),
        in_specs=[
            pl.BlockSpec((bblk, HID_DIM), lambda i: (i, 0)),
            pl.BlockSpec((bblk, HID_DIM), lambda i: (i, 0)),
            pl.BlockSpec((HID_DIM, hid), lambda i: (0, 0)),
            pl.BlockSpec((hid, NUM_ASPECT), lambda i: (0, 0)),
            pl.BlockSpec((NUM_ASPECT, hid), lambda i: (0, 0)),
            pl.BlockSpec((8, hid), lambda i: (0, 0)),
            pl.BlockSpec((8, hid), lambda i: (0, 0)),
            pl.BlockSpec((NUM_ASPECT, 2), lambda i: (0, 0)),
            pl.BlockSpec((NUM_ASPECT, 2), lambda i: (0, 0)),
            pl.BlockSpec((8, 2), lambda i: (0, 0)),
        ],
        out_specs=pl.BlockSpec((bblk, 2), lambda i: (i, 0)),
        out_shape=jax.ShapeDtypeStruct((BATCH, 2), f32),
    )(p_first, p_second, Wasp.T, g, gt, wat, wmg, wc1, wc2, bcb)
    return out

# --- scband reference (transcript-rebuilt; emitter-appended) ---
"""Pipeline reference for scband-gcn-89988154785840 (READ-ONLY COPY).

The authoritative reference and input builder live on the scoring server;
editing this copy changes nothing except your own understanding.
"""

import jax, jax.numpy as jnp
import numpy as np

N_NODES = 10000
N_EDGES = 320000
IN_DIM = 128
HID_DIM = 256
NUM_ASPECT = 8
ASPECT_DIM = 32
NUM_CLASSES = 2
BATCH = 4096


def setup_inputs(seed: int = 0) -> dict:
    key = jax.random.key(seed)
    ks = jax.random.split(key, 12)
    node_feature = jax.random.normal(ks[0], (N_NODES, IN_DIM), dtype=jnp.float32)
    edge_index = jax.random.randint(ks[1], (2, N_EDGES), 0, N_NODES, dtype=jnp.int32)
    inp = jax.random.randint(ks[2], (BATCH, 2), 0, N_NODES, dtype=jnp.int32)
    # GCNLayer.linear : in_dim -> hid_dim
    W1 = jax.random.normal(ks[3], (HID_DIM, IN_DIM), dtype=jnp.float32) * (1.0 / np.sqrt(IN_DIM))
    b1 = jnp.zeros((HID_DIM,), dtype=jnp.float32)
    # Aspect_Representation.aspEmbed : hid_dim -> num_aspect*aspect_dim (no bias)
    Wasp = jax.random.normal(ks[4], (NUM_ASPECT * ASPECT_DIM, HID_DIM), dtype=jnp.float32) * (1.0 / np.sqrt(HID_DIM))
    # Aspect_Representation.linear : aspect_dim -> 1
    Wattn = jax.random.normal(ks[5], (1, ASPECT_DIM), dtype=jnp.float32) * (1.0 / np.sqrt(ASPECT_DIM))
    battn = jnp.zeros((1,), dtype=jnp.float32)
    # aspect_merge_linear : aspect_dim -> 1
    Wmerge = jax.random.normal(ks[6], (1, ASPECT_DIM), dtype=jnp.float32) * (1.0 / np.sqrt(ASPECT_DIM))
    bmerge = jnp.zeros((1,), dtype=jnp.float32)
    # concat_linear : 2*num_aspect -> num_classes
    Wc = jax.random.normal(ks[7], (NUM_CLASSES, 2 * NUM_ASPECT), dtype=jnp.float32) * (1.0 / np.sqrt(2 * NUM_ASPECT))
    bc = jnp.zeros((NUM_CLASSES,), dtype=jnp.float32)
    return {
        'input': inp,
        'node_feature': node_feature,
        'edge_index': edge_index,
        'W1': W1, 'b1': b1,
        'Wasp': Wasp,
        'Wattn': Wattn, 'battn': battn,
        'Wmerge': Wmerge, 'bmerge': bmerge,
        'Wc': Wc, 'bc': bc,
    }


def _aspect_merge(p, Wasp, Wattn, battn, Wmerge, bmerge):
    # Aspect_Representation
    q = (p @ Wasp.T).reshape(-1, NUM_ASPECT, ASPECT_DIM)
    attn = jax.nn.softmax(q @ Wattn.T + battn, axis=1)  # [B, A, 1], softmax over aspects
    rep = attn * q                                       # [B, A, D]
    # aspect_merge_linear + squeeze
    return (rep @ Wmerge.T + bmerge).squeeze(-1)         # [B, A]


def reference(input, node_feature, edge_index, W1, b1, Wasp, Wattn, battn, Wmerge, bmerge, Wc, bc):
    # self.node_feature = feature + feature.mean(dim=0)
    feat = node_feature + jnp.mean(node_feature, axis=0, keepdims=True)
    src = edge_index[0]
    dst = edge_index[1]
    # g.update_all(u_mul_v('x','x','m'), mean('m','x'))
    msg = feat[src] * feat[dst]                                   # [E, in_dim]
    agg = jax.ops.segment_sum(msg, dst, num_segments=N_NODES)      # [N, in_dim]
    deg = jax.ops.segment_sum(jnp.ones((msg.shape[0], 1), dtype=feat.dtype), dst, num_segments=N_NODES)
    x = agg / jnp.maximum(deg, 1.0)
    # GCNLayer.linear  (dropout is identity in eval)
    x = x @ W1.T + b1                                              # [N, hid_dim]
    p1 = x[input[:, 0]]
    p2 = x[input[:, 1]]
    a1 = _aspect_merge(p1, Wasp, Wattn, battn, Wmerge, bmerge)     # [B, A]
    a2 = _aspect_merge(p2, Wasp, Wattn, battn, Wmerge, bmerge)     # [B, A]
    out = jnp.concatenate([a1, a2], axis=1) @ Wc.T + bc            # [B, num_classes]
    return jax.nn.log_softmax(out, axis=-1)

if __name__ == "__main__":
    import jax
    _d = setup_inputs()
    print(jax.jit(kernel)(*tuple(_d.values())))

</pallas_src>

<mosaic_0001>
#map = affine_map<(d0, d1) -> (0, 0)>
#map1 = affine_map<(d0, d1) -> (0, 0, 0)>
module attributes {stable_mosaic.version = 14 : i64} {
  func.func @pair_gather(%arg0: i32, %arg1: i32, %arg2: memref<10000x256xf32, #tpu.memory_space<hbm>>, %arg3: memref<32x2x128xi32, #tpu.memory_space<hbm>>, %arg4: memref<8192x256xf32, #tpu.memory_space<hbm>>, %arg5: memref<2x128xi32, #tpu.memory_space<vmem>>, %arg6: memref<128x256xf32, #tpu.memory_space<vmem>>, %arg7: memref<!tpu.dma_semaphore, #tpu.memory_space<semaphore_mem>>) attributes {dimension_semantics = [#tpu.dimension_semantics<core_parallel>, #tpu.dimension_semantics<subcore_parallel>], iteration_bounds = array<i64: 2, 16>, scalar_prefetch = 0 : i64, scratch_operands = 3 : i64, tpu.core_type = #tpu.core_type<sc_vector_subcore>, window_params = [{transform_indices = #map}, {transform_indices = #map1}, {transform_indices = #map}]} {
    %mul3A = arith.constant 2 : i32
    %mul3A_0 = arith.muli %arg1, %mul3A : i32
    %add3A = arith.addi %mul3A_0, %arg0 : i32
    "tpu.region"() ({
      %run_scoped3A = tpu.sem_alloc : memref<!tpu.dma_semaphore, #tpu.memory_space<semaphore_mem>>
      %dma_start3A = arith.constant 0 : i32
      %dma_start3A_6 = arith.constant 0 : i32
      %dma_start3A_7 = tpu.memref_slice %arg3[%add3A, %dma_start3A, %dma_start3A_6] : memref<32x2x128xi32, #tpu.memory_space<hbm>> -> memref<1x2x128xi32, #tpu.memory_space<hbm>>
      %dma_start3A_8 = tpu.memref_squeeze %dma_start3A_7 : memref<1x2x128xi32, #tpu.memory_space<hbm>> -> memref<2x128xi32, #tpu.memory_space<hbm>>
      %dma_start3A_9 = arith.constant 0 : i32
      %dma_start3A_10 = arith.constant 0 : i32
      %dma_start3A_11 = tpu.memref_slice %arg3[%add3A, %dma_start3A_9, %dma_start3A_10] : memref<32x2x128xi32, #tpu.memory_space<hbm>> -> memref<1x2x128xi32, #tpu.memory_space<hbm>>
      %dma_start3A_12 = tpu.memref_squeeze %dma_start3A_11 : memref<1x2x128xi32, #tpu.memory_space<hbm>> -> memref<2x128xi32, #tpu.memory_space<hbm>>
      tpu.enqueue_dma source(%dma_start3A_12 : memref<2x128xi32, #tpu.memory_space<hbm>>) target(%arg5 : memref<2x128xi32, #tpu.memory_space<vmem>>) target_semaphore(%run_scoped3A : memref<!tpu.dma_semaphore, #tpu.memory_space<semaphore_mem>>)
      %dma_wait3A = arith.constant 0 : i32
      %dma_wait3A_13 = arith.constant 0 : i32
      %dma_wait3A_14 = tpu.memref_slice %arg3[%add3A, %dma_wait3A, %dma_wait3A_13] : memref<32x2x128xi32, #tpu.memory_space<hbm>> -> memref<1x2x128xi32, #tpu.memory_space<hbm>>
      %dma_wait3A_15 = tpu.memref_squeeze %dma_wait3A_14 : memref<1x2x128xi32, #tpu.memory_space<hbm>> -> memref<2x128xi32, #tpu.memory_space<hbm>>
      %dma_wait3A_16 = arith.constant 0 : i32
      %dma_wait3A_17 = arith.constant 0 : i32
      %dma_wait3A_18 = tpu.memref_slice %arg3[%add3A, %dma_wait3A_16, %dma_wait3A_17] : memref<32x2x128xi32, #tpu.memory_space<hbm>> -> memref<1x2x128xi32, #tpu.memory_space<hbm>>
      %dma_wait3A_19 = tpu.memref_squeeze %dma_wait3A_18 : memref<1x2x128xi32, #tpu.memory_space<hbm>> -> memref<2x128xi32, #tpu.memory_space<hbm>>
      tpu.wait_dma2 semaphore(%run_scoped3A : memref<!tpu.dma_semaphore, #tpu.memory_space<semaphore_mem>>) src(%dma_wait3A_19 : memref<2x128xi32, #tpu.memory_space<hbm>>) dst(%arg5 : memref<2x128xi32, #tpu.memory_space<vmem>>)
      tpu.yield
    }) : () -> ()
    %scan3A = arith.constant 0 : i32
    %scan3A_1 = arith.constant 0 : i32
    %scan3A_2 = arith.constant 2 : i32
    %scan3A_3 = arith.addi %scan3A_1, %scan3A_2 : i32
    %scan3A_4 = arith.constant 1 : i32
    scf.for %scan3A_6 = %scan3A_1 to %scan3A_3 step %scan3A_4  : i32 {
      %dma_start3A = arith.constant 0 : i32
      %dma_start3A_7 = tpu.memref_slice %arg5[%scan3A_6, %dma_start3A] : memref<2x128xi32, #tpu.memory_space<vmem>> -> memref<1x128xi32, #tpu.memory_space<vmem>>
      %dma_start3A_8 = tpu.memref_squeeze %dma_start3A_7 : memref<1x128xi32, #tpu.memory_space<vmem>> -> memref<128xi32, #tpu.memory_space<vmem>>
      %dma_start3A_9 = arith.constant 0 : i32
      %dma_start3A_10 = arith.constant 0 : i32
      %dma_start3A_11 = tpu.memref_slice %arg2[%dma_start3A_9, %dma_start3A_10] : memref<10000x256xf32, #tpu.memory_space<hbm>> -> memref<10000x256xf32, #tpu.memory_space<hbm>>
      tpu.enqueue_indirect_dma source(%dma_start3A_11 : memref<10000x256xf32, #tpu.memory_space<hbm>>) target(%arg6 : memref<128x256xf32, #tpu.memory_space<vmem>>) offsets(%dma_start3A_8 : memref<128xi32, #tpu.memory_space<vmem>>) semaphore(%arg7 : memref<!tpu.dma_semaphore, #tpu.memory_space<semaphore_mem>>)
      %dma_wait3A = arith.constant 0 : i32
      %dma_wait3A_12 = tpu.memref_slice %arg5[%scan3A_6, %dma_wait3A] : memref<2x128xi32, #tpu.memory_space<vmem>> -> memref<1x128xi32, #tpu.memory_space<vmem>>
      %dma_wait3A_13 = tpu.memref_squeeze %dma_wait3A_12 : memref<1x128xi32, #tpu.memory_space<vmem>> -> memref<128xi32, #tpu.memory_space<vmem>>
      %dma_wait3A_14 = arith.constant 0 : i32
      %dma_wait3A_15 = arith.constant 0 : i32
      %dma_wait3A_16 = tpu.memref_slice %arg2[%dma_wait3A_14, %dma_wait3A_15] : memref<10000x256xf32, #tpu.memory_space<hbm>> -> memref<10000x256xf32, #tpu.memory_space<hbm>>
      tpu.wait_indirect_dma semaphore(%arg7 : memref<!tpu.dma_semaphore, #tpu.memory_space<semaphore_mem>>) src(%dma_wait3A_16 : memref<10000x256xf32, #tpu.memory_space<hbm>>) dst(%arg6 : memref<128x256xf32, #tpu.memory_space<vmem>>)
      %mul3A_17 = arith.constant 2 : i32
      %mul3A_18 = arith.muli %add3A, %mul3A_17 : i32
      %mul3A_19 = arith.constant 128 : i32
      %mul3A_20 = arith.muli %mul3A_18, %mul3A_19 : i32
      %mul3A_21 = arith.constant 128 : i32
      %mul3A_22 = arith.muli %scan3A_6, %mul3A_21 : i32
      %add3A_23 = arith.addi %mul3A_20, %mul3A_22 : i32
      "tpu.region"() ({
        %run_scoped3A = tpu.sem_alloc : memref<!tpu.dma_semaphore, #tpu.memory_space<semaphore_mem>>
        %dma_start3A_24 = arith.constant 0 : i32
        %dma_start3A_25 = tpu.memref_slice %arg4[%add3A_23, %dma_start3A_24] : memref<8192x256xf32, #tpu.memory_space<hbm>> -> memref<128x256xf32, #tpu.memory_space<hbm>>
        %dma_start3A_26 = arith.constant 0 : i32
        %dma_start3A_27 = tpu.memref_slice %arg4[%add3A_23, %dma_start3A_26] : memref<8192x256xf32, #tpu.memory_space<hbm>> -> memref<128x256xf32, #tpu.memory_space<hbm>>
        tpu.enqueue_dma source(%arg6 : memref<128x256xf32, #tpu.memory_space<vmem>>) target(%dma_start3A_27 : memref<128x256xf32, #tpu.memory_space<hbm>>) target_semaphore(%run_scoped3A : memref<!tpu.dma_semaphore, #tpu.memory_space<semaphore_mem>>)
        %dma_wait3A_28 = arith.constant 0 : i32
        %dma_wait3A_29 = tpu.memref_slice %arg4[%add3A_23, %dma_wait3A_28] : memref<8192x256xf32, #tpu.memory_space<hbm>> -> memref<128x256xf32, #tpu.memory_space<hbm>>
        %dma_wait3A_30 = arith.constant 0 : i32
        %dma_wait3A_31 = tpu.memref_slice %arg4[%add3A_23, %dma_wait3A_30] : memref<8192x256xf32, #tpu.memory_space<hbm>> -> memref<128x256xf32, #tpu.memory_space<hbm>>
        tpu.wait_dma2 semaphore(%run_scoped3A : memref<!tpu.dma_semaphore, #tpu.memory_space<semaphore_mem>>) src(%arg6 : memref<128x256xf32, #tpu.memory_space<vmem>>) dst(%dma_wait3A_31 : memref<128x256xf32, #tpu.memory_space<hbm>>)
        tpu.yield
      }) : () -> ()
    }
    %scan3A_5 = arith.constant 2 : i32
    return
  }
}

#map = affine_map<(d0, d1) -> (0, 0)>
#map1 = affine_map<(d0, d1) -> (0, 0, 0)>
module attributes {stable_mosaic.version = 14 : i64} {
  func.func @edge_scatter(%arg0: i32, %arg1: i32, %arg2: memref<10000x128xf32, #tpu.memory_space<hbm>>, %arg3: memref<32x108x96xi32, #tpu.memory_space<hbm>>, %arg4: memref<632x128xf32, #tpu.memory_space<hbm>>, %arg5: memref<632x16xf32, #tpu.memory_space<hbm>>, %arg6: memref<96x16xf32, #tpu.memory_space<hbm>>, %arg7: memref<2x10112x128xf32, #tpu.memory_space<hbm>>, %arg8: memref<2x10112x16xf32, #tpu.memory_space<hbm>>, %arg9: memref<108x96xi32, #tpu.memory_space<vmem>>, %arg10: memref<2x96xi32, #tpu.memory_space<vmem>>, %arg11: memref<1x96xi32, #tpu.memory_space<vmem>>, %arg12: memref<2x96x128xf32, #tpu.memory_space<vmem>>, %arg13: memref<96x16xf32, #tpu.memory_space<vmem>>, %arg14: memref<10112x128xf32, #tpu.memory_space<vmem_shared>>, %arg15: memref<10112x16xf32, #tpu.memory_space<vmem_shared>>, %arg16: memref<!tpu.dma_semaphore, #tpu.memory_space<semaphore_mem>>) attributes {dimension_semantics = [#tpu.dimension_semantics<core_parallel>, #tpu.dimension_semantics<subcore_parallel>], iteration_bounds = array<i64: 2, 16>, scalar_prefetch = 0 : i64, scratch_operands = 8 : i64, tpu.core_type = #tpu.core_type<sc_vector_subcore>, window_params = [{transform_indices = #map}, {transform_indices = #map1}, {transform_indices = #map}, {transform_indices = #map}, {transform_indices = #map}, {transform_indices = #map1}, {transform_indices = #map1}]} {
    %mul3A = arith.constant 2 : i32
    %mul3A_0 = arith.muli %arg1, %mul3A : i32
    %add3A = arith.addi %mul3A_0, %arg0 : i32
    %mul3A_1 = arith.constant 632 : i32
    %mul3A_2 = arith.muli %arg1, %mul3A_1 : i32
    "tpu.region"() ({
      %run_scoped3A = tpu.sem_alloc : memref<!tpu.dma_semaphore, #tpu.memory_space<semaphore_mem>>
      %dma_start3A_197 = arith.constant 0 : i32
      %dma_start3A_198 = tpu.memref_slice %arg14[%mul3A_2, %dma_start3A_197] : memref<10112x128xf32, #tpu.memory_space<vmem_shared>> -> memref<632x128xf32, #tpu.memory_space<vmem_shared>>
      tpu.enqueue_dma source(%arg4 : memref<632x128xf32, #tpu.memory_space<hbm>>) target(%dma_start3A_198 : memref<632x128xf32, #tpu.memory_space<vmem_shared>>) target_semaphore(%run_scoped3A : memref<!tpu.dma_semaphore, #tpu.memory_space<semaphore_mem>>)
      %dma_wait3A = arith.constant 0 : i32
      %dma_wait3A_199 = tpu.memref_slice %arg14[%mul3A_2, %dma_wait3A] : memref<10112x128xf32, #tpu.memory_space<vmem_shared>> -> memref<632x128xf32, #tpu.memory_space<vmem_shared>>
      tpu.wait_dma2 semaphore(%run_scoped3A : memref<!tpu.dma_semaphore, #tpu.memory_space<semaphore_mem>>) src(%arg4 : memref<632x128xf32, #tpu.memory_space<hbm>>) dst(%dma_wait3A_199 : memref<632x128xf32, #tpu.memory_space<vmem_shared>>)
      tpu.yield
    }) : () -> ()
    "tpu.region"() ({
      %run_scoped3A = tpu.sem_alloc : memref<!tpu.dma_semaphore, #tpu.memory_space<semaphore_mem>>
      %dma_start3A_197 = arith.constant 0 : i32
      %dma_start3A_198 = tpu.memref_slice %arg15[%mul3A_2, %dma_start3A_197] : memref<10112x16xf32, #tpu.memory_space<vmem_shared>> -> memref<632x16xf32, #tpu.memory_space<vmem_shared>>
      tpu.enqueue_dma source(%arg5 : memref<632x16xf32, #tpu.memory_space<hbm>>) target(%dma_start3A_198 : memref<632x16xf32, #tpu.memory_space<vmem_shared>>) target_semaphore(%run_scoped3A : memref<!tpu.dma_semaphore, #tpu.memory_space<semaphore_mem>>)
      %dma_wait3A = arith.constant 0 : i32
      %dma_wait3A_199 = tpu.memref_slice %arg15[%mul3A_2, %dma_wait3A] : memref<10112x16xf32, #tpu.memory_space<vmem_shared>> -> memref<632x16xf32, #tpu.memory_space<vmem_shared>>
      tpu.wait_dma2 semaphore(%run_scoped3A : memref<!tpu.dma_semaphore, #tpu.memory_space<semaphore_mem>>) src(%arg5 : memref<632x16xf32, #tpu.memory_space<hbm>>) dst(%dma_wait3A_199 : memref<632x16xf32, #tpu.memory_space<vmem_shared>>)
      tpu.yield
    }) : () -> ()
    "tpu.region"() ({
      %run_scoped3A = tpu.sem_alloc : memref<!tpu.dma_semaphore, #tpu.memory_space<semaphore_mem>>
      %dma_start3A_197 = arith.constant 0 : i32
      %dma_start3A_198 = arith.constant 0 : i32
      %dma_start3A_199 = tpu.memref_slice %arg3[%add3A, %dma_start3A_197, %dma_start3A_198] : memref<32x108x96xi32, #tpu.memory_space<hbm>> -> memref<1x108x96xi32, #tpu.memory_space<hbm>>
      %dma_start3A_200 = tpu.memref_squeeze %dma_start3A_199 : memref<1x108x96xi32, #tpu.memory_space<hbm>> -> memref<108x96xi32, #tpu.memory_space<hbm>>
      %dma_start3A_201 = arith.constant 0 : i32
      %dma_start3A_202 = arith.constant 0 : i32
      %dma_start3A_203 = tpu.memref_slice %arg3[%add3A, %dma_start3A_201, %dma_start3A_202] : memref<32x108x96xi32, #tpu.memory_space<hbm>> -> memref<1x108x96xi32, #tpu.memory_space<hbm>>
      %dma_start3A_204 = tpu.memref_squeeze %dma_start3A_203 : memref<1x108x96xi32, #tpu.memory_space<hbm>> -> memref<108x96xi32, #tpu.memory_space<hbm>>
      tpu.enqueue_dma source(%dma_start3A_204 : memref<108x96xi32, #tpu.memory_space<hbm>>) target(%arg9 : memref<108x96xi32, #tpu.memory_space<vmem>>) target_semaphore(%run_scoped3A : memref<!tpu.dma_semaphore, #tpu.memory_space<semaphore_mem>>)
      %dma_wait3A = arith.constant 0 : i32
      %dma_wait3A_205 = arith.constant 0 : i32
      %dma_wait3A_206 = tpu.memref_slice %arg3[%add3A, %dma_wait3A, %dma_wait3A_205] : memref<32x108x96xi32, #tpu.memory_space<hbm>> -> memref<1x108x96xi32, #tpu.memory_space<hbm>>
      %dma_wait3A_207 = tpu.memref_squeeze %dma_wait3A_206 : memref<1x108x96xi32, #tpu.memory_space<hbm>> -> memref<108x96xi32, #tpu.memory_space<hbm>>
      %dma_wait3A_208 = arith.constant 0 : i32
      %dma_wait3A_209 = arith.constant 0 : i32
      %dma_wait3A_210 = tpu.memref_slice %arg3[%add3A, %dma_wait3A_208, %dma_wait3A_209] : memref<32x108x96xi32, #tpu.memory_space<hbm>> -> memref<1x108x96xi32, #tpu.memory_space<hbm>>
      %dma_wait3A_211 = tpu.memref_squeeze %dma_wait3A_210 : memref<1x108x96xi32, #tpu.memory_space<hbm>> -> memref<108x96xi32, #tpu.memory_space<hbm>>
      tpu.wait_dma2 semaphore(%run_scoped3A : memref<!tpu.dma_semaphore, #tpu.memory_space<semaphore_mem>>) src(%dma_wait3A_211 : memref<108x96xi32, #tpu.memory_space<hbm>>) dst(%arg9 : memref<108x96xi32, #tpu.memory_space<vmem>>)
      tpu.yield
    }) : () -> ()
    "tpu.region"() ({
      %run_scoped3A = tpu.sem_alloc : memref<!tpu.dma_semaphore, #tpu.memory_space<semaphore_mem>>
      tpu.enqueue_dma source(%arg6 : memref<96x16xf32, #tpu.memory_space<hbm>>) target(%arg13 : memref<96x16xf32, #tpu.memory_space<vmem>>) target_semaphore(%run_scoped3A : memref<!tpu.dma_semaphore, #tpu.memory_space<semaphore_mem>>)
      tpu.wait_dma2 semaphore(%run_scoped3A : memref<!tpu.dma_semaphore, #tpu.memory_space<semaphore_mem>>) src(%arg6 : memref<96x16xf32, #tpu.memory_space<hbm>>) dst(%arg13 : memref<96x16xf32, #tpu.memory_space<vmem>>)
      tpu.yield
    }) : () -> ()
    %barrier3A = arith.constant 0 : index
    tpu.barrier barrier_id(%barrier3A)
    %get3A = arith.constant 0 : i32
    %get3A_3 = arith.index_cast %get3A : i32 to index
    %get3A_4 = arith.constant 0 : index
    %get3A_5 = tpu.vector_load %arg9[%get3A_3, %get3A_4] {strides = array<i32>} : memref<108x96xi32, #tpu.memory_space<vmem>>, vector<1x16xi32>,
    %get3A_6 = vector.shape_cast %get3A_5 : vector<1x16xi32> to vector<16xi32>
    %and3A = arith.constant 16383 : i32
    %and3A_7 = vector.broadcast %and3A : i32 to vector<16xi32>
    %and3A_8 = arith.andi %get3A_6, %and3A_7 : vector<16xi32>
    %swap3A = arith.constant 0 : i32
    %swap3A_9 = arith.index_cast %swap3A : i32 to index
    %swap3A_10 = arith.constant 0 : index
    %swap3A_11 = tpu.vector_load %arg10[%swap3A_9, %swap3A_10] {strides = array<i32>} : memref<2x96xi32, #tpu.memory_space<vmem>>, vector<1x16xi32>,
    %swap3A_12 = vector.shape_cast %swap3A_11 : vector<1x16xi32> to vector<16xi32>
    %swap3A_13 = vector.shape_cast %and3A_8 : vector<16xi32> to vector<1x16xi32>
    tpu.vector_store %arg10[%swap3A_9, %swap3A_10], %swap3A_13 {strides = array<i32>} : memref<2x96xi32, #tpu.memory_space<vmem>>, vector<1x16xi32>,
    %get3A_14 = arith.constant 0 : i32
    %get3A_15 = arith.index_cast %get3A_14 : i32 to index
    %get3A_16 = arith.constant 16 : index
    %get3A_17 = tpu.vector_load %arg9[%get3A_15, %get3A_16] {strides = array<i32>} : memref<108x96xi32, #tpu.memory_space<vmem>>, vector<1x16xi32>,
    %get3A_18 = vector.shape_cast %get3A_17 : vector<1x16xi32> to vector<16xi32>
    %and3A_19 = arith.constant 16383 : i32
    %and3A_20 = vector.broadcast %and3A_19 : i32 to vector<16xi32>
    %and3A_21 = arith.andi %get3A_18, %and3A_20 : vector<16xi32>
    %swap3A_22 = arith.constant 0 : i32
    %swap3A_23 = arith.index_cast %swap3A_22 : i32 to index
    %swap3A_24 = arith.constant 16 : index
    %swap3A_25 = tpu.vector_load %arg10[%swap3A_23, %swap3A_24] {strides = array<i32>} : memref<2x96xi32, #tpu.memory_space<vmem>>, vector<1x16xi32>,
    %swap3A_26 = vector.shape_cast %swap3A_25 : vector<1x16xi32> to vector<16xi32>
    %swap3A_27 = vector.shape_cast %and3A_21 : vector<16xi32> to vector<1x16xi32>
    tpu.vector_store %arg10[%swap3A_23, %swap3A_24], %swap3A_27 {strides = array<i32>} : memref<2x96xi32, #tpu.memory_space<vmem>>, vector<1x16xi32>,
    %get3A_28 = arith.constant 0 : i32
    %get3A_29 = arith.index_cast %get3A_28 : i32 to index
    %get3A_30 = arith.constant 32 : index
    %get3A_31 = tpu.vector_load %arg9[%get3A_29, %get3A_30] {strides = array<i32>} : memref<108x96xi32, #tpu.memory_space<vmem>>, vector<1x16xi32>,
    %get3A_32 = vector.shape_cast %get3A_31 : vector<1x16xi32> to vector<16xi32>
    %and3A_33 = arith.constant 16383 : i32
    %and3A_34 = vector.broadcast %and3A_33 : i32 to vector<16xi32>
    %and3A_35 = arith.andi %get3A_32, %and3A_34 : vector<16xi32>
    %swap3A_36 = arith.constant 0 : i32
    %swap3A_37 = arith.index_cast %swap3A_36 : i32 to index
    %swap3A_38 = arith.constant 32 : index
    %swap3A_39 = tpu.vector_load %arg10[%swap3A_37, %swap3A_38] {strides = array<i32>} : memref<2x96xi32, #tpu.memory_space<vmem>>, vector<1x16xi32>,
    %swap3A_40 = vector.shape_cast %swap3A_39 : vector<1x16xi32> to vector<16xi32>
    %swap3A_41 = vector.shape_cast %and3A_35 : vector<16xi32> to vector<1x16xi32>
    tpu.vector_store %arg10[%swap3A_37, %swap3A_38], %swap3A_41 {strides = array<i32>} : memref<2x96xi32, #tpu.memory_space<vmem>>, vector<1x16xi32>,
    %get3A_42 = arith.constant 0 : i32
    %get3A_43 = arith.index_cast %get3A_42 : i32 to index
    %get3A_44 = arith.constant 48 : index
    %get3A_45 = tpu.vector_load %arg9[%get3A_43, %get3A_44] {strides = array<i32>} : memref<108x96xi32, #tpu.memory_space<vmem>>, vector<1x16xi32>,
    %get3A_46 = vector.shape_cast %get3A_45 : vector<1x16xi32> to vector<16xi32>
    %and3A_47 = arith.constant 16383 : i32
    %and3A_48 = vector.broadcast %and3A_47 : i32 to vector<16xi32>
    %and3A_49 = arith.andi %get3A_46, %and3A_48 : vector<16xi32>
    %swap3A_50 = arith.constant 0 : i32
    %swap3A_51 = arith.index_cast %swap3A_50 : i32 to index
    %swap3A_52 = arith.constant 48 : index
    %swap3A_53 = tpu.vector_load %arg10[%swap3A_51, %swap3A_52] {strides = array<i32>} : memref<2x96xi32, #tpu.memory_space<vmem>>, vector<1x16xi32>,
    %swap3A_54 = vector.shape_cast %swap3A_53 : vector<1x16xi32> to vector<16xi32>
    %swap3A_55 = vector.shape_cast %and3A_49 : vector<16xi32> to vector<1x16xi32>
    tpu.vector_store %arg10[%swap3A_51, %swap3A_52], %swap3A_55 {strides = array<i32>} : memref<2x96xi32, #tpu.memory_space<vmem>>, vector<1x16xi32>,
    %get3A_56 = arith.constant 0 : i32
    %get3A_57 = arith.index_cast %get3A_56 : i32 to index
    %get3A_58 = arith.constant 64 : index
    %get3A_59 = tpu.vector_load %arg9[%get3A_57, %get3A_58] {strides = array<i32>} : memref<108x96xi32, #tpu.memory_space<vmem>>, vector<1x16xi32>,
    %get3A_60 = vector.shape_cast %get3A_59 : vector<1x16xi32> to vector<16xi32>
    %and3A_61 = arith.constant 16383 : i32
    %and3A_62 = vector.broadcast %and3A_61 : i32 to vector<16xi32>
    %and3A_63 = arith.andi %get3A_60, %and3A_62 : vector<16xi32>
    %swap3A_64 = arith.constant 0 : i32
    %swap3A_65 = arith.index_cast %swap3A_64 : i32 to index
    %swap3A_66 = arith.constant 64 : index
    %swap3A_67 = tpu.vector_load %arg10[%swap3A_65, %swap3A_66] {strides = array<i32>} : memref<2x96xi32, #tpu.memory_space<vmem>>, vector<1x16xi32>,
    %swap3A_68 = vector.shape_cast %swap3A_67 : vector<1x16xi32> to vector<16xi32>
    %swap3A_69 = vector.shape_cast %and3A_63 : vector<16xi32> to vector<1x16xi32>
    tpu.vector_store %arg10[%swap3A_65, %swap3A_66], %swap3A_69 {strides = array<i32>} : memref<2x96xi32, #tpu.memory_space<vmem>>, vector<1x16xi32>,
    %get3A_70 = arith.constant 0 : i32
    %get3A_71 = arith.index_cast %get3A_70 : i32 to index
    %get3A_72 = arith.constant 80 : index
    %get3A_73 = tpu.vector_load %arg9[%get3A_71, %get3A_72] {strides = array<i32>} : memref<108x96xi32, #tpu.memory_space<vmem>>, vector<1x16xi32>,
    %get3A_74 = vector.shape_cast %get3A_73 : vector<1x16xi32> to vector<16xi32>
    %and3A_75 = arith.constant 16383 : i32
    %and3A_76 = vector.broadcast %and3A_75 : i32 to vector<16xi32>
    %and3A_77 = arith.andi %get3A_74, %and3A_76 : vector<16xi32>
    %swap3A_78 = arith.constant 0 : i32
    %swap3A_79 = arith.index_cast %swap3A_78 : i32 to index
    %swap3A_80 = arith.constant 80 : index
    %swap3A_81 = tpu.vector_load %arg10[%swap3A_79, %swap3A_80] {strides = array<i32>} : memref<2x96xi32, #tpu.memory_space<vmem>>, vector<1x16xi32>,
    %swap3A_82 = vector.shape_cast %swap3A_81 : vector<1x16xi32> to vector<16xi32>
    %swap3A_83 = vector.shape_cast %and3A_77 : vector<16xi32> to vector<1x16xi32>
    tpu.vector_store %arg10[%swap3A_79, %swap3A_80], %swap3A_83 {strides = array<i32>} : memref<2x96xi32, #tpu.memory_space<vmem>>, vector<1x16xi32>,
    %dma_start3A = arith.constant 0 : i32
    %dma_start3A_84 = arith.constant 0 : i32
    %dma_start3A_85 = arith.constant 0 : i32
    %dma_start3A_86 = arith.constant 0 : i32
    %dma_start3A_87 = tpu.memref_slice %arg12[%dma_start3A_84, %dma_start3A_85, %dma_start3A_86] : memref<2x96x128xf32, #tpu.memory_space<vmem>> -> memref<1x96x128xf32, #tpu.memory_space<vmem>>
    %dma_start3A_88 = tpu.memref_squeeze %dma_start3A_87 : memref<1x96x128xf32, #tpu.memory_space<vmem>> -> memref<96x128xf32, #tpu.memory_space<vmem>>
    %dma_start3A_89 = arith.constant 0 : i32
    %dma_start3A_90 = tpu.memref_slice %arg10[%dma_start3A, %dma_start3A_89] : memref<2x96xi32, #tpu.memory_space<vmem>> -> memref<1x96xi32, #tpu.memory_space<vmem>>
    %dma_start3A_91 = tpu.memref_squeeze %dma_start3A_90 : memref<1x96xi32, #tpu.memory_space<vmem>> -> memref<96xi32, #tpu.memory_space<vmem>>
    %dma_start3A_92 = arith.constant 0 : i32
    %dma_start3A_93 = arith.constant 0 : i32
    %dma_start3A_94 = tpu.memref_slice %arg2[%dma_start3A_92, %dma_start3A_93] : memref<10000x128xf32, #tpu.memory_space<hbm>> -> memref<10000x128xf32, #tpu.memory_space<hbm>>
    tpu.enqueue_indirect_dma source(%dma_start3A_94 : memref<10000x128xf32, #tpu.memory_space<hbm>>) target(%dma_start3A_88 : memref<96x128xf32, #tpu.memory_space<vmem>>) offsets(%dma_start3A_91 : memref<96xi32, #tpu.memory_space<vmem>>) semaphore(%arg16 : memref<!tpu.dma_semaphore, #tpu.memory_space<semaphore_mem>>)
    %get3A_95 = arith.constant 1 : i32
    %get3A_96 = arith.index_cast %get3A_95 : i32 to index
    %get3A_97 = arith.constant 0 : index
    %get3A_98 = tpu.vector_load %arg9[%get3A_96, %get3A_97] {strides = array<i32>} : memref<108x96xi32, #tpu.memory_space<vmem>>, vector<1x16xi32>,
    %get3A_99 = vector.shape_cast %get3A_98 : vector<1x16xi32> to vector<16xi32>
    %and3A_100 = arith.constant 16383 : i32
    %and3A_101 = vector.broadcast %and3A_100 : i32 to vector<16xi32>
    %and3A_102 = arith.andi %get3A_99, %and3A_101 : vector<16xi32>
    %swap3A_103 = arith.constant 1 : i32
    %swap3A_104 = arith.index_cast %swap3A_103 : i32 to index
    %swap3A_105 = arith.constant 0 : index
    %swap3A_106 = tpu.vector_load %arg10[%swap3A_104, %swap3A_105] {strides = array<i32>} : memref<2x96xi32, #tpu.memory_space<vmem>>, vector<1x16xi32>,
    %swap3A_107 = vector.shape_cast %swap3A_106 : vector<1x16xi32> to vector<16xi32>
    %swap3A_108 = vector.shape_cast %and3A_102 : vector<16xi32> to vector<1x16xi32>
    tpu.vector_store %arg10[%swap3A_104, %swap3A_105], %swap3A_108 {strides = array<i32>} : memref<2x96xi32, #tpu.memory_space<vmem>>, vector<1x16xi32>,
    %get3A_109 = arith.constant 1 : i32
    %get3A_110 = arith.index_cast %get3A_109 : i32 to index
    %get3A_111 = arith.constant 16 : index
    %get3A_112 = tpu.vector_load %arg9[%get3A_110, %get3A_111] {strides = array<i32>} : memref<108x96xi32, #tpu.memory_space<vmem>>, vector<1x16xi32>,
    %get3A_113 = vector.shape_cast %get3A_112 : vector<1x16xi32> to vector<16xi32>
    %and3A_114 = arith.constant 16383 : i32
    %and3A_115 = vector.broadcast %and3A_114 : i32 to vector<16xi32>
    %and3A_116 = arith.andi %get3A_113, %and3A_115 : vector<16xi32>
    %swap3A_117 = arith.constant 1 : i32
    %swap3A_118 = arith.index_cast %swap3A_117 : i32 to index
    %swap3A_119 = arith.constant 16 : index
    %swap3A_120 = tpu.vector_load %arg10[%swap3A_118, %swap3A_119] {strides = array<i32>} : memref<2x96xi32, #tpu.memory_space<vmem>>, vector<1x16xi32>,
    %swap3A_121 = vector.shape_cast %swap3A_120 : vector<1x16xi32> to vector<16xi32>
    %swap3A_122 = vector.shape_cast %and3A_116 : vector<16xi32> to vector<1x16xi32>
    tpu.vector_store %arg10[%swap3A_118, %swap3A_119], %swap3A_122 {strides = array<i32>} : memref<2x96xi32, #tpu.memory_space<vmem>>, vector<1x16xi32>,
    %get3A_123 = arith.constant 1 : i32
    %get3A_124 = arith.index_cast %get3A_123 : i32 to index
    %get3A_125 = arith.constant 32 : index
    %get3A_126 = tpu.vector_load %arg9[%get3A_124, %get3A_125] {strides = array<i32>} : memref<108x96xi32, #tpu.memory_space<vmem>>, vector<1x16xi32>,
    %get3A_127 = vector.shape_cast %get3A_126 : vector<1x16xi32> to vector<16xi32>
    %and3A_128 = arith.constant 16383 : i32
    %and3A_129 = vector.broadcast %and3A_128 : i32 to vector<16xi32>
    %and3A_130 = arith.andi %get3A_127, %and3A_129 : vector<16xi32>
    %swap3A_131 = arith.constant 1 : i32
    %swap3A_132 = arith.index_cast %swap3A_131 : i32 to index
    %swap3A_133 = arith.constant 32 : index
    %swap3A_134 = tpu.vector_load %arg10[%swap3A_132, %swap3A_133] {strides = array<i32>} : memref<2x96xi32, #tpu.memory_space<vmem>>, vector<1x16xi32>,
    %swap3A_135 = vector.shape_cast %swap3A_134 : vector<1x16xi32> to vector<16xi32>
    %swap3A_136 = vector.shape_cast %and3A_130 : vector<16xi32> to vector<1x16xi32>
    tpu.vector_store %arg10[%swap3A_132, %swap3A_133], %swap3A_136 {strides = array<i32>} : memref<2x96xi32, #tpu.memory_space<vmem>>, vector<1x16xi32>,
    %get3A_137 = arith.constant 1 : i32
    %get3A_138 = arith.index_cast %get3A_137 : i32 to index
    %get3A_139 = arith.constant 48 : index
    %get3A_140 = tpu.vector_load %arg9[%get3A_138, %get3A_139] {strides = array<i32>} : memref<108x96xi32, #tpu.memory_space<vmem>>, vector<1x16xi32>,
    %get3A_141 = vector.shape_cast %get3A_140 : vector<1x16xi32> to vector<16xi32>
    %and3A_142 = arith.constant 16383 : i32
    %and3A_143 = vector.broadcast %and3A_142 : i32 to vector<16xi32>
    %and3A_144 = arith.andi %get3A_141, %and3A_143 : vector<16xi32>
    %swap3A_145 = arith.constant 1 : i32
    %swap3A_146 = arith.index_cast %swap3A_145 : i32 to index
    %swap3A_147 = arith.constant 48 : index
    %swap3A_148 = tpu.vector_load %arg10[%swap3A_146, %swap3A_147] {strides = array<i32>} : memref<2x96xi32, #tpu.memory_space<vmem>>, vector<1x16xi32>,
    %swap3A_149 = vector.shape_cast %swap3A_148 : vector<1x16xi32> to vector<16xi32>
    %swap3A_150 = vector.shape_cast %and3A_144 : vector<16xi32> to vector<1x16xi32>
    tpu.vector_store %arg10[%swap3A_146, %swap3A_147], %swap3A_150 {strides = array<i32>} : memref<2x96xi32, #tpu.memory_space<vmem>>, vector<1x16xi32>,
    %get3A_151 = arith.constant 1 : i32
    %get3A_152 = arith.index_cast %get3A_151 : i32 to index
    %get3A_153 = arith.constant 64 : index
    %get3A_154 = tpu.vector_load %arg9[%get3A_152, %get3A_153] {strides = array<i32>} : memref<108x96xi32, #tpu.memory_space<vmem>>, vector<1x16xi32>,
    %get3A_155 = vector.shape_cast %get3A_154 : vector<1x16xi32> to vector<16xi32>
    %and3A_156 = arith.constant 16383 : i32
    %and3A_157 = vector.broadcast %and3A_156 : i32 to vector<16xi32>
    %and3A_158 = arith.andi %get3A_155, %and3A_157 : vector<16xi32>
    %swap3A_159 = arith.constant 1 : i32
    %swap3A_160 = arith.index_cast %swap3A_159 : i32 to index
    %swap3A_161 = arith.constant 64 : index
    %swap3A_162 = tpu.vector_load %arg10[%swap3A_160, %swap3A_161] {strides = array<i32>} : memref<2x96xi32, #tpu.memory_space<vmem>>, vector<1x16xi32>,
    %swap3A_163 = vector.shape_cast %swap3A_162 : vector<1x16xi32> to vector<16xi32>
    %swap3A_164 = vector.shape_cast %and3A_158 : vector<16xi32> to vector<1x16xi32>
    tpu.vector_store %arg10[%swap3A_160, %swap3A_161], %swap3A_164 {strides = array<i32>} : memref<2x96xi32, #tpu.memory_space<vmem>>, vector<1x16xi32>,
    %get3A_165 = arith.constant 1 : i32
    %get3A_166 = arith.index_cast %get3A_165 : i32 to index
    %get3A_167 = arith.constant 80 : index
    %get3A_168 = tpu.vector_load %arg9[%get3A_166, %get3A_167] {strides = array<i32>} : memref<108x96xi32, #tpu.memory_space<vmem>>, vector<1x16xi32>,
    %get3A_169 = vector.shape_cast %get3A_168 : vector<1x16xi32> to vector<16xi32>
    %and3A_170 = arith.constant 16383 : i32
    %and3A_171 = vector.broadcast %and3A_170 : i32 to vector<16xi32>
    %and3A_172 = arith.andi %get3A_169, %and3A_171 : vector<16xi32>
    %swap3A_173 = arith.constant 1 : i32
    %swap3A_174 = arith.index_cast %swap3A_173 : i32 to index
    %swap3A_175 = arith.constant 80 : index
    %swap3A_176 = tpu.vector_load %arg10[%swap3A_174, %swap3A_175] {strides = array<i32>} : memref<2x96xi32, #tpu.memory_space<vmem>>, vector<1x16xi32>,
    %swap3A_177 = vector.shape_cast %swap3A_176 : vector<1x16xi32> to vector<16xi32>
    %swap3A_178 = vector.shape_cast %and3A_172 : vector<16xi32> to vector<1x16xi32>
    tpu.vector_store %arg10[%swap3A_174, %swap3A_175], %swap3A_178 {strides = array<i32>} : memref<2x96xi32, #tpu.memory_space<vmem>>, vector<1x16xi32>,
    %dma_start3A_179 = arith.constant 1 : i32
    %dma_start3A_180 = arith.constant 1 : i32
    %dma_start3A_181 = arith.constant 0 : i32
    %dma_start3A_182 = arith.constant 0 : i32
    %dma_start3A_183 = tpu.memref_slice %arg12[%dma_start3A_180, %dma_start3A_181, %dma_start3A_182] : memref<2x96x128xf32, #tpu.memory_space<vmem>> -> memref<1x96x128xf32, #tpu.memory_space<vmem>>
    %dma_start3A_184 = tpu.memref_squeeze %dma_start3A_183 : memref<1x96x128xf32, #tpu.memory_space<vmem>> -> memref<96x128xf32, #tpu.memory_space<vmem>>
    %dma_start3A_185 = arith.constant 0 : i32
    %dma_start3A_186 = tpu.memref_slice %arg10[%dma_start3A_179, %dma_start3A_185] : memref<2x96xi32, #tpu.memory_space<vmem>> -> memref<1x96xi32, #tpu.memory_space<vmem>>
    %dma_start3A_187 = tpu.memref_squeeze %dma_start3A_186 : memref<1x96xi32, #tpu.memory_space<vmem>> -> memref<96xi32, #tpu.memory_space<vmem>>
    %dma_start3A_188 = arith.constant 0 : i32
    %dma_start3A_189 = arith.constant 0 : i32
    %dma_start3A_190 = tpu.memref_slice %arg2[%dma_start3A_188, %dma_start3A_189] : memref<10000x128xf32, #tpu.memory_space<hbm>> -> memref<10000x128xf32, #tpu.memory_space<hbm>>
    tpu.enqueue_indirect_dma source(%dma_start3A_190 : memref<10000x128xf32, #tpu.memory_space<hbm>>) target(%dma_start3A_184 : memref<96x128xf32, #tpu.memory_space<vmem>>) offsets(%dma_start3A_187 : memref<96xi32, #tpu.memory_space<vmem>>) semaphore(%arg16 : memref<!tpu.dma_semaphore, #tpu.memory_space<semaphore_mem>>)
    %scan3A = arith.constant 0 : i32
    %scan3A_191 = arith.constant 0 : i32
    %scan3A_192 = arith.constant 54 : i32
    %scan3A_193 = arith.addi %scan3A_191, %scan3A_192 : i32
    %scan3A_194 = arith.constant 1 : i32
    scf.for %scan3A_197 = %scan3A_191 to %scan3A_193 step %scan3A_194  : i32 {
      %mul3A_198 = arith.constant 2 : i32
      %mul3A_199 = arith.muli %scan3A_197, %mul3A_198 : i32
      %add3A_200 = arith.constant 0 : i32
      %add3A_201 = arith.addi %mul3A_199, %add3A_200 : i32
      %dma_wait3A = arith.constant 0 : i32
      %dma_wait3A_202 = arith.constant 0 : i32
      %dma_wait3A_203 = arith.constant 0 : i32
      %dma_wait3A_204 = arith.constant 0 : i32
      %dma_wait3A_205 = tpu.memref_slice %arg12[%dma_wait3A_202, %dma_wait3A_203, %dma_wait3A_204] : memref<2x96x128xf32, #tpu.memory_space<vmem>> -> memref<1x96x128xf32, #tpu.memory_space<vmem>>
      %dma_wait3A_206 = tpu.memref_squeeze %dma_wait3A_205 : memref<1x96x128xf32, #tpu.memory_space<vmem>> -> memref<96x128xf32, #tpu.memory_space<vmem>>
      %dma_wait3A_207 = arith.constant 0 : i32
      %dma_wait3A_208 = tpu.memref_slice %arg10[%dma_wait3A, %dma_wait3A_207] : memref<2x96xi32, #tpu.memory_space<vmem>> -> memref<1x96xi32, #tpu.memory_space<vmem>>
      %dma_wait3A_209 = tpu.memref_squeeze %dma_wait3A_208 : memref<1x96xi32, #tpu.memory_space<vmem>> -> memref<96xi32, #tpu.memory_space<vmem>>
      %dma_wait3A_210 = arith.constant 0 : i32
      %dma_wait3A_211 = arith.constant 0 : i32
      %dma_wait3A_212 = tpu.memref_slice %arg2[%dma_wait3A_210, %dma_wait3A_211] : memref<10000x128xf32, #tpu.memory_space<hbm>> -> memref<10000x128xf32, #tpu.memory_space<hbm>>
      tpu.wait_indirect_dma semaphore(%arg16 : memref<!tpu.dma_semaphore, #tpu.memory_space<semaphore_mem>>) src(%dma_wait3A_212 : memref<10000x128xf32, #tpu.memory_space<hbm>>) dst(%dma_wait3A_206 : memref<96x128xf32, #tpu.memory_space<vmem>>)
      %get3A_213 = arith.index_cast %add3A_201 : i32 to index
      %get3A_214 = arith.constant 0 : index
      %get3A_215 = tpu.vector_load %arg9[%get3A_213, %get3A_214] {strides = array<i32>} : memref<108x96xi32, #tpu.memory_space<vmem>>, vector<1x16xi32>,
      %get3A_216 = vector.shape_cast %get3A_215 : vector<1x16xi32> to vector<16xi32>
      %shift_right_arithmetic3A = arith.constant 14 : i32
      %shift_right_arithmetic3A_217 = vector.broadcast %shift_right_arithmetic3A : i32 to vector<16xi32>
      %shift_right_arithmetic3A_218 = arith.shrsi %get3A_216, %shift_right_arithmetic3A_217 : vector<16xi32>
      %swap3A_219 = arith.constant 0 : i32
      %swap3A_220 = arith.index_cast %swap3A_219 : i32 to index
      %swap3A_221 = arith.constant 0 : index
      %swap3A_222 = tpu.vector_load %arg11[%swap3A_220, %swap3A_221] {strides = array<i32>} : memref<1x96xi32, #tpu.memory_space<vmem>>, vector<1x16xi32>,
      %swap3A_223 = vector.shape_cast %swap3A_222 : vector<1x16xi32> to vector<16xi32>
      %swap3A_224 = vector.shape_cast %shift_right_arithmetic3A_218 : vector<16xi32> to vector<1x16xi32>
      tpu.vector_store %arg11[%swap3A_220, %swap3A_221], %swap3A_224 {strides = array<i32>} : memref<1x96xi32, #tpu.memory_space<vmem>>, vector<1x16xi32>,
      %get3A_225 = arith.index_cast %add3A_201 : i32 to index
      %get3A_226 = arith.constant 16 : index
      %get3A_227 = tpu.vector_load %arg9[%get3A_225, %get3A_226] {strides = array<i32>} : memref<108x96xi32, #tpu.memory_space<vmem>>, vector<1x16xi32>,
      %get3A_228 = vector.shape_cast %get3A_227 : vector<1x16xi32> to vector<16xi32>
      %shift_right_arithmetic3A_229 = arith.constant 14 : i32
      %shift_right_arithmetic3A_230 = vector.broadcast %shift_right_arithmetic3A_229 : i32 to vector<16xi32>
      %shift_right_arithmetic3A_231 = arith.shrsi %get3A_228, %shift_right_arithmetic3A_230 : vector<16xi32>
      %swap3A_232 = arith.constant 0 : i32
      %swap3A_233 = arith.index_cast %swap3A_232 : i32 to index
      %swap3A_234 = arith.constant 16 : index
      %swap3A_235 = tpu.vector_load %arg11[%swap3A_233, %swap3A_234] {strides = array<i32>} : memref<1x96xi32, #tpu.memory_space<vmem>>, vector<1x16xi32>,
      %swap3A_236 = vector.shape_cast %swap3A_235 : vector<1x16xi32> to vector<16xi32>
      %swap3A_237 = vector.shape_cast %shift_right_arithmetic3A_231 : vector<16xi32> to vector<1x16xi32>
      tpu.vector_store %arg11[%swap3A_233, %swap3A_234], %swap3A_237 {strides = array<i32>} : memref<1x96xi32, #tpu.memory_space<vmem>>, vector<1x16xi32>,
      %get3A_238 = arith.index_cast %add3A_201 : i32 to index
      %get3A_239 = arith.constant 32 : index
      %get3A_240 = tpu.vector_load %arg9[%get3A_238, %get3A_239] {strides = array<i32>} : memref<108x96xi32, #tpu.memory_space<vmem>>, vector<1x16xi32>,
      %get3A_241 = vector.shape_cast %get3A_240 : vector<1x16xi32> to vector<16xi32>
      %shift_right_arithmetic3A_242 = arith.constant 14 : i32
      %shift_right_arithmetic3A_243 = vector.broadcast %shift_right_arithmetic3A_242 : i32 to vector<16xi32>
      %shift_right_arithmetic3A_244 = arith.shrsi %get3A_241, %shift_right_arithmetic3A_243 : vector<16xi32>
      %swap3A_245 = arith.constant 0 : i32
      %swap3A_246 = arith.index_cast %swap3A_245 : i32 to index
      %swap3A_247 = arith.constant 32 : index
      %swap3A_248 = tpu.vector_load %arg11[%swap3A_246, %swap3A_247] {strides = array<i32>} : memref<1x96xi32, #tpu.memory_space<vmem>>, vector<1x16xi32>,
      %swap3A_249 = vector.shape_cast %swap3A_248 : vector<1x16xi32> to vector<16xi32>
      %swap3A_250 = vector.shape_cast %shift_right_arithmetic3A_244 : vector<16xi32> to vector<1x16xi32>
      tpu.vector_store %arg11[%swap3A_246, %swap3A_247], %swap3A_250 {strides = array<i32>} : memref<1x96xi32, #tpu.memory_space<vmem>>, vector<1x16xi32>,
      %get3A_251 = arith.index_cast %add3A_201 : i32 to index
      %get3A_252 = arith.constant 48 : index
      %get3A_253 = tpu.vector_load %arg9[%get3A_251, %get3A_252] {strides = array<i32>} : memref<108x96xi32, #tpu.memory_space<vmem>>, vector<1x16xi32>,
      %get3A_254 = vector.shape_cast %get3A_253 : vector<1x16xi32> to vector<16xi32>
      %shift_right_arithmetic3A_255 = arith.constant 14 : i32
      %shift_right_arithmetic3A_256 = vector.broadcast %shift_right_arithmetic3A_255 : i32 to vector<16xi32>
      %shift_right_arithmetic3A_257 = arith.shrsi %get3A_254, %shift_right_arithmetic3A_256 : vector<16xi32>
      %swap3A_258 = arith.constant 0 : i32
      %swap3A_259 = arith.index_cast %swap3A_258 : i32 to index
      %swap3A_260 = arith.constant 48 : index
      %swap3A_261 = tpu.vector_load %arg11[%swap3A_259, %swap3A_260] {strides = array<i32>} : memref<1x96xi32, #tpu.memory_space<vmem>>, vector<1x16xi32>,
      %swap3A_262 = vector.shape_cast %swap3A_261 : vector<1x16xi32> to vector<16xi32>
      %swap3A_263 = vector.shape_cast %shift_right_arithmetic3A_257 : vector<16xi32> to vector<1x16xi32>
      tpu.vector_store %arg11[%swap3A_259, %swap3A_260], %swap3A_263 {strides = array<i32>} : memref<1x96xi32, #tpu.memory_space<vmem>>, vector<1x16xi32>,
      %get3A_264 = arith.index_cast %add3A_201 : i32 to index
      %get3A_265 = arith.constant 64 : index
      %get3A_266 = tpu.vector_load %arg9[%get3A_264, %get3A_265] {strides = array<i32>} : memref<108x96xi32, #tpu.memory_space<vmem>>, vector<1x16xi32>,
      %get3A_267 = vector.shape_cast %get3A_266 : vector<1x16xi32> to vector<16xi32>
      %shift_right_arithmetic3A_268 = arith.constant 14 : i32
      %shift_right_arithmetic3A_269 = vector.broadcast %shift_right_arithmetic3A_268 : i32 to vector<16xi32>
      %shift_right_arithmetic3A_270 = arith.shrsi %get3A_267, %shift_right_arithmetic3A_269 : vector<16xi32>
      %swap3A_271 = arith.constant 0 : i32
      %swap3A_272 = arith.index_cast %swap3A_271 : i32 to index
      %swap3A_273 = arith.constant 64 : index
      %swap3A_274 = tpu.vector_load %arg11[%swap3A_272, %swap3A_273] {strides = array<i32>} : memref<1x96xi32, #tpu.memory_space<vmem>>, vector<1x16xi32>,
      %swap3A_275 = vector.shape_cast %swap3A_274 : vector<1x16xi32> to vector<16xi32>
      %swap3A_276 = vector.shape_cast %shift_right_arithmetic3A_270 : vector<16xi32> to vector<1x16xi32>
      tpu.vector_store %arg11[%swap3A_272, %swap3A_273], %swap3A_276 {strides = array<i32>} : memref<1x96xi32, #tpu.memory_space<vmem>>, vector<1x16xi32>,
      %get3A_277 = arith.index_cast %add3A_201 : i32 to index
      %get3A_278 = arith.constant 80 : index
      %get3A_279 = tpu.vector_load %arg9[%get3A_277, %get3A_278] {strides = array<i32>} : memref<108x96xi32, #tpu.memory_space<vmem>>, vector<1x16xi32>,
      %get3A_280 = vector.shape_cast %get3A_279 : vector<1x16xi32> to vector<16xi32>
      %shift_right_arithmetic3A_281 = arith.constant 14 : i32
      %shift_right_arithmetic3A_282 = vector.broadcast %shift_right_arithmetic3A_281 : i32 to vector<16xi32>
      %shift_right_arithmetic3A_283 = arith.shrsi %get3A_280, %shift_right_arithmetic3A_282 : vector<16xi32>
      %swap3A_284 = arith.constant 0 : i32
      %swap3A_285 = arith.index_cast %swap3A_284 : i32 to index
      %swap3A_286 = arith.constant 80 : index
      %swap3A_287 = tpu.vector_load %arg11[%swap3A_285, %swap3A_286] {strides = array<i32>} : memref<1x96xi32, #tpu.memory_space<vmem>>, vector<1x16xi32>,
      %swap3A_288 = vector.shape_cast %swap3A_287 : vector<1x16xi32> to vector<16xi32>
      %swap3A_289 = vector.shape_cast %shift_right_arithmetic3A_283 : vector<16xi32> to vector<1x16xi32>
      tpu.vector_store %arg11[%swap3A_285, %swap3A_286], %swap3A_289 {strides = array<i32>} : memref<1x96xi32, #tpu.memory_space<vmem>>, vector<1x16xi32>,
      %run_scoped3A = arith.constant 0 : i32
      %run_scoped3A_290 = arith.constant 0 : i32
      "tpu.region"() ({
        %run_scoped3A_400 = tpu.sem_alloc : memref<!tpu.dma_semaphore, #tpu.memory_space<semaphore_mem>>
        %dma_start3A_401 = arith.constant 0 : i32
        %dma_start3A_402 = arith.constant 0 : i32
        %dma_start3A_403 = tpu.memref_slice %arg12[%run_scoped3A, %dma_start3A_401, %dma_start3A_402] : memref<2x96x128xf32, #tpu.memory_space<vmem>> -> memref<1x96x128xf32, #tpu.memory_space<vmem>>
        %dma_start3A_404 = tpu.memref_squeeze %dma_start3A_403 : memref<1x96x128xf32, #tpu.memory_space<vmem>> -> memref<96x128xf32, #tpu.memory_space<vmem>>
        %dma_start3A_405 = arith.constant 0 : i32
        %dma_start3A_406 = tpu.memref_slice %arg11[%run_scoped3A_290, %dma_start3A_405] : memref<1x96xi32, #tpu.memory_space<vmem>> -> memref<1x96xi32, #tpu.memory_space<vmem>>
        %dma_start3A_407 = tpu.memref_squeeze %dma_start3A_406 : memref<1x96xi32, #tpu.memory_space<vmem>> -> memref<96xi32, #tpu.memory_space<vmem>>
        %dma_start3A_408 = arith.constant 0 : i32
        %dma_start3A_409 = arith.constant 0 : i32
        %dma_start3A_410 = tpu.memref_slice %arg14[%dma_start3A_408, %dma_start3A_409] : memref<10112x128xf32, #tpu.memory_space<vmem_shared>> -> memref<10112x128xf32, #tpu.memory_space<vmem_shared>>
        tpu.enqueue_indirect_dma source(%dma_start3A_404 : memref<96x128xf32, #tpu.memory_space<vmem>>) target(%dma_start3A_410 : memref<10112x128xf32, #tpu.memory_space<vmem_shared>>) offsets(%dma_start3A_407 : memref<96xi32, #tpu.memory_space<vmem>>) semaphore(%run_scoped3A_400 : memref<!tpu.dma_semaphore, #tpu.memory_space<semaphore_mem>>) {add = true}
        %dma_wait3A_411 = arith.constant 0 : i32
        %dma_wait3A_412 = arith.constant 0 : i32
        %dma_wait3A_413 = tpu.memref_slice %arg12[%run_scoped3A, %dma_wait3A_411, %dma_wait3A_412] : memref<2x96x128xf32, #tpu.memory_space<vmem>> -> memref<1x96x128xf32, #tpu.memory_space<vmem>>
        %dma_wait3A_414 = tpu.memref_squeeze %dma_wait3A_413 : memref<1x96x128xf32, #tpu.memory_space<vmem>> -> memref<96x128xf32, #tpu.memory_space<vmem>>
        %dma_wait3A_415 = arith.constant 0 : i32
        %dma_wait3A_416 = tpu.memref_slice %arg11[%run_scoped3A_290, %dma_wait3A_415] : memref<1x96xi32, #tpu.memory_space<vmem>> -> memref<1x96xi32, #tpu.memory_space<vmem>>
        %dma_wait3A_417 = tpu.memref_squeeze %dma_wait3A_416 : memref<1x96xi32, #tpu.memory_space<vmem>> -> memref<96xi32, #tpu.memory_space<vmem>>
        %dma_wait3A_418 = arith.constant 0 : i32
        %dma_wait3A_419 = arith.constant 0 : i32
        %dma_wait3A_420 = tpu.memref_slice %arg14[%dma_wait3A_418, %dma_wait3A_419] : memref<10112x128xf32, #tpu.memory_space<vmem_shared>> -> memref<10112x128xf32, #tpu.memory_space<vmem_shared>>
        tpu.wait_indirect_dma semaphore(%run_scoped3A_400 : memref<!tpu.dma_semaphore, #tpu.memory_space<semaphore_mem>>) src(%dma_wait3A_414 : memref<96x128xf32, #tpu.memory_space<vmem>>) dst(%dma_wait3A_420 : memref<10112x128xf32, #tpu.memory_space<vmem_shared>>)
        tpu.yield
      }) : () -> ()
      %run_scoped3A_291 = arith.constant 0 : i32
      "tpu.region"() ({
        %run_scoped3A_400 = tpu.sem_alloc : memref<!tpu.dma_semaphore, #tpu.memory_space<semaphore_mem>>
        %dma_start3A_401 = arith.constant 0 : i32
        %dma_start3A_402 = tpu.memref_slice %arg11[%run_scoped3A_291, %dma_start3A_401] : memref<1x96xi32, #tpu.memory_space<vmem>> -> memref<1x96xi32, #tpu.memory_space<vmem>>
        %dma_start3A_403 = tpu.memref_squeeze %dma_start3A_402 : memref<1x96xi32, #tpu.memory_space<vmem>> -> memref<96xi32, #tpu.memory_space<vmem>>
        %dma_start3A_404 = arith.constant 0 : i32
        %dma_start3A_405 = arith.constant 0 : i32
        %dma_start3A_406 = tpu.memref_slice %arg15[%dma_start3A_404, %dma_start3A_405] : memref<10112x16xf32, #tpu.memory_space<vmem_shared>> -> memref<10112x16xf32, #tpu.memory_space<vmem_shared>>
        tpu.enqueue_indirect_dma source(%arg13 : memref<96x16xf32, #tpu.memory_space<vmem>>) target(%dma_start3A_406 : memref<10112x16xf32, #tpu.memory_space<vmem_shared>>) offsets(%dma_start3A_403 : memref<96xi32, #tpu.memory_space<vmem>>) semaphore(%run_scoped3A_400 : memref<!tpu.dma_semaphore, #tpu.memory_space<semaphore_mem>>) {add = true}
        %dma_wait3A_407 = arith.constant 0 : i32
        %dma_wait3A_408 = tpu.memref_slice %arg11[%run_scoped3A_291, %dma_wait3A_407] : memref<1x96xi32, #tpu.memory_space<vmem>> -> memref<1x96xi32, #tpu.memory_space<vmem>>
        %dma_wait3A_409 = tpu.memref_squeeze %dma_wait3A_408 : memref<1x96xi32, #tpu.memory_space<vmem>> -> memref<96xi32, #tpu.memory_space<vmem>>
        %dma_wait3A_410 = arith.constant 0 : i32
        %dma_wait3A_411 = arith.constant 0 : i32
        %dma_wait3A_412 = tpu.memref_slice %arg15[%dma_wait3A_410, %dma_wait3A_411] : memref<10112x16xf32, #tpu.memory_space<vmem_shared>> -> memref<10112x16xf32, #tpu.memory_space<vmem_shared>>
        tpu.wait_indirect_dma semaphore(%run_scoped3A_400 : memref<!tpu.dma_semaphore, #tpu.memory_space<semaphore_mem>>) src(%arg13 : memref<96x16xf32, #tpu.memory_space<vmem>>) dst(%dma_wait3A_412 : memref<10112x16xf32, #tpu.memory_space<vmem_shared>>)
        tpu.yield
      }) : () -> ()
      %add3A_292 = arith.constant 2 : i32
      %add3A_293 = arith.addi %add3A_201, %add3A_292 : i32
      %lt3A = arith.constant 108 : i32
      %lt3A_294 = arith.cmpi slt, %add3A_293, %lt3A : i32
      %convert_element_type3A = arith.extui %lt3A_294 : i1 to i32
      %cond3A = arith.constant 0 : i32
      %cond3A_295 = arith.cmpi ne, %convert_element_type3A, %cond3A : i32
      scf.if %cond3A_295 {
        %get3A_400 = arith.index_cast %add3A_293 : i32 to index
        %get3A_401 = arith.constant 0 : index
        %get3A_402 = tpu.vector_load %arg9[%get3A_400, %get3A_401] {strides = array<i32>} : memref<108x96xi32, #tpu.memory_space<vmem>>, vector<1x16xi32>,
        %get3A_403 = vector.shape_cast %get3A_402 : vector<1x16xi32> to vector<16xi32>
        %and3A_404 = arith.constant 16383 : i32
        %and3A_405 = vector.broadcast %and3A_404 : i32 to vector<16xi32>
        %and3A_406 = arith.andi %get3A_403, %and3A_405 : vector<16xi32>
        %swap3A_407 = arith.constant 0 : i32
        %swap3A_408 = arith.index_cast %swap3A_407 : i32 to index
        %swap3A_409 = arith.constant 0 : index
        %swap3A_410 = tpu.vector_load %arg10[%swap3A_408, %swap3A_409] {strides = array<i32>} : memref<2x96xi32, #tpu.memory_space<vmem>>, vector<1x16xi32>,
        %swap3A_411 = vector.shape_cast %swap3A_410 : vector<1x16xi32> to vector<16xi32>
        %swap3A_412 = vector.shape_cast %and3A_406 : vector<16xi32> to vector<1x16xi32>
        tpu.vector_store %arg10[%swap3A_408, %swap3A_409], %swap3A_412 {strides = array<i32>} : memref<2x96xi32, #tpu.memory_space<vmem>>, vector<1x16xi32>,
        %get3A_413 = arith.index_cast %add3A_293 : i32 to index
        %get3A_414 = arith.constant 16 : index
        %get3A_415 = tpu.vector_load %arg9[%get3A_413, %get3A_414] {strides = array<i32>} : memref<108x96xi32, #tpu.memory_space<vmem>>, vector<1x16xi32>,
        %get3A_416 = vector.shape_cast %get3A_415 : vector<1x16xi32> to vector<16xi32>
        %and3A_417 = arith.constant 16383 : i32
        %and3A_418 = vector.broadcast %and3A_417 : i32 to vector<16xi32>
        %and3A_419 = arith.andi %get3A_416, %and3A_418 : vector<16xi32>
        %swap3A_420 = arith.constant 0 : i32
        %swap3A_421 = arith.index_cast %swap3A_420 : i32 to index
        %swap3A_422 = arith.constant 16 : index
        %swap3A_423 = tpu.vector_load %arg10[%swap3A_421, %swap3A_422] {strides = array<i32>} : memref<2x96xi32, #tpu.memory_space<vmem>>, vector<1x16xi32>,
        %swap3A_424 = vector.shape_cast %swap3A_423 : vector<1x16xi32> to vector<16xi32>
        %swap3A_425 = vector.shape_cast %and3A_419 : vector<16xi32> to vector<1x16xi32>
        tpu.vector_store %arg10[%swap3A_421, %swap3A_422], %swap3A_425 {strides = array<i32>} : memref<2x96xi32, #tpu.memory_space<vmem>>, vector<1x16xi32>,
        %get3A_426 = arith.index_cast %add3A_293 : i32 to index
        %get3A_427 = arith.constant 32 : index
        %get3A_428 = tpu.vector_load %arg9[%get3A_426, %get3A_427] {strides = array<i32>} : memref<108x96xi32, #tpu.memory_space<vmem>>, vector<1x16xi32>,
        %get3A_429 = vector.shape_cast %get3A_428 : vector<1x16xi32> to vector<16xi32>
        %and3A_430 = arith.constant 16383 : i32
        %and3A_431 = vector.broadcast %and3A_430 : i32 to vector<16xi32>
        %and3A_432 = arith.andi %get3A_429, %and3A_431 : vector<16xi32>
        %swap3A_433 = arith.constant 0 : i32
        %swap3A_434 = arith.index_cast %swap3A_433 : i32 to index
        %swap3A_435 = arith.constant 32 : index
        %swap3A_436 = tpu.vector_load %arg10[%swap3A_434, %swap3A_435] {strides = array<i32>} : memref<2x96xi32, #tpu.memory_space<vmem>>, vector<1x16xi32>,
        %swap3A_437 = vector.shape_cast %swap3A_436 : vector<1x16xi32> to vector<16xi32>
        %swap3A_438 = vector.shape_cast %and3A_432 : vector<16xi32> to vector<1x16xi32>
        tpu.vector_store %arg10[%swap3A_434, %swap3A_435], %swap3A_438 {strides = array<i32>} : memref<2x96xi32, #tpu.memory_space<vmem>>, vector<1x16xi32>,
        %get3A_439 = arith.index_cast %add3A_293 : i32 to index
        %get3A_440 = arith.constant 48 : index
        %get3A_441 = tpu.vector_load %arg9[%get3A_439, %get3A_440] {strides = array<i32>} : memref<108x96xi32, #tpu.memory_space<vmem>>, vector<1x16xi32>,
        %get3A_442 = vector.shape_cast %get3A_441 : vector<1x16xi32> to vector<16xi32>
        %and3A_443 = arith.constant 16383 : i32
        %and3A_444 = vector.broadcast %and3A_443 : i32 to vector<16xi32>
        %and3A_445 = arith.andi %get3A_442, %and3A_444 : vector<16xi32>
        %swap3A_446 = arith.constant 0 : i32
        %swap3A_447 = arith.index_cast %swap3A_446 : i32 to index
        %swap3A_448 = arith.constant 48 : index
        %swap3A_449 = tpu.vector_load %arg10[%swap3A_447, %swap3A_448] {strides = array<i32>} : memref<2x96xi32, #tpu.memory_space<vmem>>, vector<1x16xi32>,
        %swap3A_450 = vector.shape_cast %swap3A_449 : vector<1x16xi32> to vector<16xi32>
        %swap3A_451 = vector.shape_cast %and3A_445 : vector<16xi32> to vector<1x16xi32>
        tpu.vector_store %arg10[%swap3A_447, %swap3A_448], %swap3A_451 {strides = array<i32>} : memref<2x96xi32, #tpu.memory_space<vmem>>, vector<1x16xi32>,
        %get3A_452 = arith.index_cast %add3A_293 : i32 to index
        %get3A_453 = arith.constant 64 : index
        %get3A_454 = tpu.vector_load %arg9[%get3A_452, %get3A_453] {strides = array<i32>} : memref<108x96xi32, #tpu.memory_space<vmem>>, vector<1x16xi32>,
        %get3A_455 = vector.shape_cast %get3A_454 : vector<1x16xi32> to vector<16xi32>
        %and3A_456 = arith.constant 16383 : i32
        %and3A_457 = vector.broadcast %and3A_456 : i32 to vector<16xi32>
        %and3A_458 = arith.andi %get3A_455, %and3A_457 : vector<16xi32>
        %swap3A_459 = arith.constant 0 : i32
        %swap3A_460 = arith.index_cast %swap3A_459 : i32 to index
        %swap3A_461 = arith.constant 64 : index
        %swap3A_462 = tpu.vector_load %arg10[%swap3A_460, %swap3A_461] {strides = array<i32>} : memref<2x96xi32, #tpu.memory_space<vmem>>, vector<1x16xi32>,
        %swap3A_463 = vector.shape_cast %swap3A_462 : vector<1x16xi32> to vector<16xi32>
        %swap3A_464 = vector.shape_cast %and3A_458 : vector<16xi32> to vector<1x16xi32>
        tpu.vector_store %arg10[%swap3A_460, %swap3A_461], %swap3A_464 {strides = array<i32>} : memref<2x96xi32, #tpu.memory_space<vmem>>, vector<1x16xi32>,
        %get3A_465 = arith.index_cast %add3A_293 : i32 to index
        %get3A_466 = arith.constant 80 : index
        %get3A_467 = tpu.vector_load %arg9[%get3A_465, %get3A_466] {strides = array<i32>} : memref<108x96xi32, #tpu.memory_space<vmem>>, vector<1x16xi32>,
        %get3A_468 = vector.shape_cast %get3A_467 : vector<1x16xi32> to vector<16xi32>
        %and3A_469 = arith.constant 16383 : i32
        %and3A_470 = vector.broadcast %and3A_469 : i32 to vector<16xi32>
        %and3A_471 = arith.andi %get3A_468, %and3A_470 : vector<16xi32>
        %swap3A_472 = arith.constant 0 : i32
        %swap3A_473 = arith.index_cast %swap3A_472 : i32 to index
        %swap3A_474 = arith.constant 80 : index
        %swap3A_475 = tpu.vector_load %arg10[%swap3A_473, %swap3A_474] {strides = array<i32>} : memref<2x96xi32, #tpu.memory_space<vmem>>, vector<1x16xi32>,
        %swap3A_476 = vector.shape_cast %swap3A_475 : vector<1x16xi32> to vector<16xi32>
        %swap3A_477 = vector.shape_cast %and3A_471 : vector<16xi32> to vector<1x16xi32>
        tpu.vector_store %arg10[%swap3A_473, %swap3A_474], %swap3A_477 {strides = array<i32>} : memref<2x96xi32, #tpu.memory_space<vmem>>, vector<1x16xi32>,
        %dma_start3A_478 = arith.constant 0 : i32
        %dma_start3A_479 = arith.constant 0 : i32
        %dma_start3A_480 = arith.constant 0 : i32
        %dma_start3A_481 = arith.constant 0 : i32
        %dma_start3A_482 = tpu.memref_slice %arg12[%dma_start3A_479, %dma_start3A_480, %dma_start3A_481] : memref<2x96x128xf32, #tpu.memory_space<vmem>> -> memref<1x96x128xf32, #tpu.memory_space<vmem>>
        %dma_start3A_483 = tpu.memref_squeeze %dma_start3A_482 : memref<1x96x128xf32, #tpu.memory_space<vmem>> -> memref<96x128xf32, #tpu.memory_space<vmem>>
        %dma_start3A_484 = arith.constant 0 : i32
        %dma_start3A_485 = tpu.memref_slice %arg10[%dma_start3A_478, %dma_start3A_484] : memref<2x96xi32, #tpu.memory_space<vmem>> -> memref<1x96xi32, #tpu.memory_space<vmem>>
        %dma_start3A_486 = tpu.memref_squeeze %dma_start3A_485 : memref<1x96xi32, #tpu.memory_space<vmem>> -> memref<96xi32, #tpu.memory_space<vmem>>
        %dma_start3A_487 = arith.constant 0 : i32
        %dma_start3A_488 = arith.constant 0 : i32
        %dma_start3A_489 = tpu.memref_slice %arg2[%dma_start3A_487, %dma_start3A_488] : memref<10000x128xf32, #tpu.memory_space<hbm>> -> memref<10000x128xf32, #tpu.memory_space<hbm>>
        tpu.enqueue_indirect_dma source(%dma_start3A_489 : memref<10000x128xf32, #tpu.memory_space<hbm>>) target(%dma_start3A_483 : memref<96x128xf32, #tpu.memory_space<vmem>>) offsets(%dma_start3A_486 : memref<96xi32, #tpu.memory_space<vmem>>) semaphore(%arg16 : memref<!tpu.dma_semaphore, #tpu.memory_space<semaphore_mem>>)
      } else {
      }
      %mul3A_296 = arith.constant 2 : i32
      %mul3A_297 = arith.muli %scan3A_197, %mul3A_296 : i32
      %add3A_298 = arith.constant 1 : i32
      %add3A_299 = arith.addi %mul3A_297, %add3A_298 : i32
      %dma_wait3A_300 = arith.constant 1 : i32
      %dma_wait3A_301 = arith.constant 1 : i32
      %dma_wait3A_302 = arith.constant 0 : i32
      %dma_wait3A_303 = arith.constant 0 : i32
      %dma_wait3A_304 = tpu.memref_slice %arg12[%dma_wait3A_301, %dma_wait3A_302, %dma_wait3A_303] : memref<2x96x128xf32, #tpu.memory_space<vmem>> -> memref<1x96x128xf32, #tpu.memory_space<vmem>>
      %dma_wait3A_305 = tpu.memref_squeeze %dma_wait3A_304 : memref<1x96x128xf32, #tpu.memory_space<vmem>> -> memref<96x128xf32, #tpu.memory_space<vmem>>
      %dma_wait3A_306 = arith.constant 0 : i32
      %dma_wait3A_307 = tpu.memref_slice %arg10[%dma_wait3A_300, %dma_wait3A_306] : memref<2x96xi32, #tpu.memory_space<vmem>> -> memref<1x96xi32, #tpu.memory_space<vmem>>
      %dma_wait3A_308 = tpu.memref_squeeze %dma_wait3A_307 : memref<1x96xi32, #tpu.memory_space<vmem>> -> memref<96xi32, #tpu.memory_space<vmem>>
      %dma_wait3A_309 = arith.constant 0 : i32
      %dma_wait3A_310 = arith.constant 0 : i32
      %dma_wait3A_311 = tpu.memref_slice %arg2[%dma_wait3A_309, %dma_wait3A_310] : memref<10000x128xf32, #tpu.memory_space<hbm>> -> memref<10000x128xf32, #tpu.memory_space<hbm>>
      tpu.wait_indirect_dma semaphore(%arg16 : memref<!tpu.dma_semaphore, #tpu.memory_space<semaphore_mem>>) src(%dma_wait3A_311 : memref<10000x128xf32, #tpu.memory_space<hbm>>) dst(%dma_wait3A_305 : memref<96x128xf32, #tpu.memory_space<vmem>>)
      %get3A_312 = arith.index_cast %add3A_299 : i32 to index
      %get3A_313 = arith.constant 0 : index
      %get3A_314 = tpu.vector_load %arg9[%get3A_312, %get3A_313] {strides = array<i32>} : memref<108x96xi32, #tpu.memory_space<vmem>>, vector<1x16xi32>,
      %get3A_315 = vector.shape_cast %get3A_314 : vector<1x16xi32> to vector<16xi32>
      %shift_right_arithmetic3A_316 = arith.constant 14 : i32
      %shift_right_arithmetic3A_317 = vector.broadcast %shift_right_arithmetic3A_316 : i32 to vector<16xi32>
      %shift_right_arithmetic3A_318 = arith.shrsi %get3A_315, %shift_right_arithmetic3A_317 : vector<16xi32>
      %swap3A_319 = arith.constant 0 : i32
      %swap3A_320 = arith.index_cast %swap3A_319 : i32 to index
      %swap3A_321 = arith.constant 0 : index
      %swap3A_322 = tpu.vector_load %arg11[%swap3A_320, %swap3A_321] {strides = array<i32>} : memref<1x96xi32, #tpu.memory_space<vmem>>, vector<1x16xi32>,
      %swap3A_323 = vector.shape_cast %swap3A_322 : vector<1x16xi32> to vector<16xi32>
      %swap3A_324 = vector.shape_cast %shift_right_arithmetic3A_318 : vector<16xi32> to vector<1x16xi32>
      tpu.vector_store %arg11[%swap3A_320, %swap3A_321], %swap3A_324 {strides = array<i32>} : memref<1x96xi32, #tpu.memory_space<vmem>>, vector<1x16xi32>,
      %get3A_325 = arith.index_cast %add3A_299 : i32 to index
      %get3A_326 = arith.constant 16 : index
      %get3A_327 = tpu.vector_load %arg9[%get3A_325, %get3A_326] {strides = array<i32>} : memref<108x96xi32, #tpu.memory_space<vmem>>, vector<1x16xi32>,
      %get3A_328 = vector.shape_cast %get3A_327 : vector<1x16xi32> to vector<16xi32>
      %shift_right_arithmetic3A_329 = arith.constant 14 : i32
      %shift_right_arithmetic3A_330 = vector.broadcast %shift_right_arithmetic3A_329 : i32 to vector<16xi32>
      %shift_right_arithmetic3A_331 = arith.shrsi %get3A_328, %shift_right_arithmetic3A_330 : vector<16xi32>
      %swap3A_332 = arith.constant 0 : i32
      %swap3A_333 = arith.index_cast %swap3A_332 : i32 to index
      %swap3A_334 = arith.constant 16 : index
      %swap3A_335 = tpu.vector_load %arg11[%swap3A_333, %swap3A_334] {strides = array<i32>} : memref<1x96xi32, #tpu.memory_space<vmem>>, vector<1x16xi32>,
      %swap3A_336 = vector.shape_cast %swap3A_335 : vector<1x16xi32> to vector<16xi32>
      %swap3A_337 = vector.shape_cast %shift_right_arithmetic3A_331 : vector<16xi32> to vector<1x16xi32>
      tpu.vector_store %arg11[%swap3A_333, %swap3A_334], %swap3A_337 {strides = array<i32>} : memref<1x96xi32, #tpu.memory_space<vmem>>, vector<1x16xi32>,
      %get3A_338 = arith.index_cast %add3A_299 : i32 to index
      %get3A_339 = arith.constant 32 : index
      %get3A_340 = tpu.vector_load %arg9[%get3A_338, %get3A_339] {strides = array<i32>} : memref<108x96xi32, #tpu.memory_space<vmem>>, vector<1x16xi32>,
      %get3A_341 = vector.shape_cast %get3A_340 : vector<1x16xi32> to vector<16xi32>
      %shift_right_arithmetic3A_342 = arith.constant 14 : i32
      %shift_right_arithmetic3A_343 = vector.broadcast %shift_right_arithmetic3A_342 : i32 to vector<16xi32>
      %shift_right_arithmetic3A_344 = arith.shrsi %get3A_341, %shift_right_arithmetic3A_343 : vector<16xi32>
      %swap3A_345 = arith.constant 0 : i32
      %swap3A_346 = arith.index_cast %swap3A_345 : i32 to index
      %swap3A_347 = arith.constant 32 : index
      %swap3A_348 = tpu.vector_load %arg11[%swap3A_346, %swap3A_347] {strides = array<i32>} : memref<1x96xi32, #tpu.memory_space<vmem>>, vector<1x16xi32>,
      %swap3A_349 = vector.shape_cast %swap3A_348 : vector<1x16xi32> to vector<16xi32>
      %swap3A_350 = vector.shape_cast %shift_right_arithmetic3A_344 : vector<16xi32> to vector<1x16xi32>
      tpu.vector_store %arg11[%swap3A_346, %swap3A_347], %swap3A_350 {strides = array<i32>} : memref<1x96xi32, #tpu.memory_space<vmem>>, vector<1x16xi32>,
      %get3A_351 = arith.index_cast %add3A_299 : i32 to index
      %get3A_352 = arith.constant 48 : index
      %get3A_353 = tpu.vector_load %arg9[%get3A_351, %get3A_352] {strides = array<i32>} : memref<108x96xi32, #tpu.memory_space<vmem>>, vector<1x16xi32>,
      %get3A_354 = vector.shape_cast %get3A_353 : vector<1x16xi32> to vector<16xi32>
      %shift_right_arithmetic3A_355 = arith.constant 14 : i32
      %shift_right_arithmetic3A_356 = vector.broadcast %shift_right_arithmetic3A_355 : i32 to vector<16xi32>
      %shift_right_arithmetic3A_357 = arith.shrsi %get3A_354, %shift_right_arithmetic3A_356 : vector<16xi32>
      %swap3A_358 = arith.constant 0 : i32
      %swap3A_359 = arith.index_cast %swap3A_358 : i32 to index
      %swap3A_360 = arith.constant 48 : index
      %swap3A_361 = tpu.vector_load %arg11[%swap3A_359, %swap3A_360] {strides = array<i32>} : memref<1x96xi32, #tpu.memory_space<vmem>>, vector<1x16xi32>,
      %swap3A_362 = vector.shape_cast %swap3A_361 : vector<1x16xi32> to vector<16xi32>
      %swap3A_363 = vector.shape_cast %shift_right_arithmetic3A_357 : vector<16xi32> to vector<1x16xi32>
      tpu.vector_store %arg11[%swap3A_359, %swap3A_360], %swap3A_363 {strides = array<i32>} : memref<1x96xi32, #tpu.memory_space<vmem>>, vector<1x16xi32>,
      %get3A_364 = arith.index_cast %add3A_299 : i32 to index
      %get3A_365 = arith.constant 64 : index
      %get3A_366 = tpu.vector_load %arg9[%get3A_364, %get3A_365] {strides = array<i32>} : memref<108x96xi32, #tpu.memory_space<vmem>>, vector<1x16xi32>,
      %get3A_367 = vector.shape_cast %get3A_366 : vector<1x16xi32> to vector<16xi32>
      %shift_right_arithmetic3A_368 = arith.constant 14 : i32
      %shift_right_arithmetic3A_369 = vector.broadcast %shift_right_arithmetic3A_368 : i32 to vector<16xi32>
      %shift_right_arithmetic3A_370 = arith.shrsi %get3A_367, %shift_right_arithmetic3A_369 : vector<16xi32>
      %swap3A_371 = arith.constant 0 : i32
      %swap3A_372 = arith.index_cast %swap3A_371 : i32 to index
      %swap3A_373 = arith.constant 64 : index
      %swap3A_374 = tpu.vector_load %arg11[%swap3A_372, %swap3A_373] {strides = array<i32>} : memref<1x96xi32, #tpu.memory_space<vmem>>, vector<1x16xi32>,
      %swap3A_375 = vector.shape_cast %swap3A_374 : vector<1x16xi32> to vector<16xi32>
      %swap3A_376 = vector.shape_cast %shift_right_arithmetic3A_370 : vector<16xi32> to vector<1x16xi32>
      tpu.vector_store %arg11[%swap3A_372, %swap3A_373], %swap3A_376 {strides = array<i32>} : memref<1x96xi32, #tpu.memory_space<vmem>>, vector<1x16xi32>,
      %get3A_377 = arith.index_cast %add3A_299 : i32 to index
      %get3A_378 = arith.constant 80 : index
      %get3A_379 = tpu.vector_load %arg9[%get3A_377, %get3A_378] {strides = array<i32>} : memref<108x96xi32, #tpu.memory_space<vmem>>, vector<1x16xi32>,
      %get3A_380 = vector.shape_cast %get3A_379 : vector<1x16xi32> to vector<16xi32>
      %shift_right_arithmetic3A_381 = arith.constant 14 : i32
      %shift_right_arithmetic3A_382 = vector.broadcast %shift_right_arithmetic3A_381 : i32 to vector<16xi32>
      %shift_right_arithmetic3A_383 = arith.shrsi %get3A_380, %shift_right_arithmetic3A_382 : vector<16xi32>
      %swap3A_384 = arith.constant 0 : i32
      %swap3A_385 = arith.index_cast %swap3A_384 : i32 to index
      %swap3A_386 = arith.constant 80 : index
      %swap3A_387 = tpu.vector_load %arg11[%swap3A_385, %swap3A_386] {strides = array<i32>} : memref<1x96xi32, #tpu.memory_space<vmem>>, vector<1x16xi32>,
      %swap3A_388 = vector.shape_cast %swap3A_387 : vector<1x16xi32> to vector<16xi32>
      %swap3A_389 = vector.shape_cast %shift_right_arithmetic3A_383 : vector<16xi32> to vector<1x16xi32>
      tpu.vector_store %arg11[%swap3A_385, %swap3A_386], %swap3A_389 {strides = array<i32>} : memref<1x96xi32, #tpu.memory_space<vmem>>, vector<1x16xi32>,
      %run_scoped3A_390 = arith.constant 1 : i32
      %run_scoped3A_391 = arith.constant 0 : i32
      "tpu.region"() ({
        %run_scoped3A_400 = tpu.sem_alloc : memref<!tpu.dma_semaphore, #tpu.memory_space<semaphore_mem>>
        %dma_start3A_401 = arith.constant 0 : i32
        %dma_start3A_402 = arith.constant 0 : i32
        %dma_start3A_403 = tpu.memref_slice %arg12[%run_scoped3A_390, %dma_start3A_401, %dma_start3A_402] : memref<2x96x128xf32, #tpu.memory_space<vmem>> -> memref<1x96x128xf32, #tpu.memory_space<vmem>>
        %dma_start3A_404 = tpu.memref_squeeze %dma_start3A_403 : memref<1x96x128xf32, #tpu.memory_space<vmem>> -> memref<96x128xf32, #tpu.memory_space<vmem>>
        %dma_start3A_405 = arith.constant 0 : i32
        %dma_start3A_406 = tpu.memref_slice %arg11[%run_scoped3A_391, %dma_start3A_405] : memref<1x96xi32, #tpu.memory_space<vmem>> -> memref<1x96xi32, #tpu.memory_space<vmem>>
        %dma_start3A_407 = tpu.memref_squeeze %dma_start3A_406 : memref<1x96xi32, #tpu.memory_space<vmem>> -> memref<96xi32, #tpu.memory_space<vmem>>
        %dma_start3A_408 = arith.constant 0 : i32
        %dma_start3A_409 = arith.constant 0 : i32
        %dma_start3A_410 = tpu.memref_slice %arg14[%dma_start3A_408, %dma_start3A_409] : memref<10112x128xf32, #tpu.memory_space<vmem_shared>> -> memref<10112x128xf32, #tpu.memory_space<vmem_shared>>
        tpu.enqueue_indirect_dma source(%dma_start3A_404 : memref<96x128xf32, #tpu.memory_space<vmem>>) target(%dma_start3A_410 : memref<10112x128xf32, #tpu.memory_space<vmem_shared>>) offsets(%dma_start3A_407 : memref<96xi32, #tpu.memory_space<vmem>>) semaphore(%run_scoped3A_400 : memref<!tpu.dma_semaphore, #tpu.memory_space<semaphore_mem>>) {add = true}
        %dma_wait3A_411 = arith.constant 0 : i32
        %dma_wait3A_412 = arith.constant 0 : i32
        %dma_wait3A_413 = tpu.memref_slice %arg12[%run_scoped3A_390, %dma_wait3A_411, %dma_wait3A_412] : memref<2x96x128xf32, #tpu.memory_space<vmem>> -> memref<1x96x128xf32, #tpu.memory_space<vmem>>
        %dma_wait3A_414 = tpu.memref_squeeze %dma_wait3A_413 : memref<1x96x128xf32, #tpu.memory_space<vmem>> -> memref<96x128xf32, #tpu.memory_space<vmem>>
        %dma_wait3A_415 = arith.constant 0 : i32
        %dma_wait3A_416 = tpu.memref_slice %arg11[%run_scoped3A_391, %dma_wait3A_415] : memref<1x96xi32, #tpu.memory_space<vmem>> -> memref<1x96xi32, #tpu.memory_space<vmem>>
        %dma_wait3A_417 = tpu.memref_squeeze %dma_wait3A_416 : memref<1x96xi32, #tpu.memory_space<vmem>> -> memref<96xi32, #tpu.memory_space<vmem>>
        %dma_wait3A_418 = arith.constant 0 : i32
        %dma_wait3A_419 = arith.constant 0 : i32
        %dma_wait3A_420 = tpu.memref_slice %arg14[%dma_wait3A_418, %dma_wait3A_419] : memref<10112x128xf32, #tpu.memory_space<vmem_shared>> -> memref<10112x128xf32, #tpu.memory_space<vmem_shared>>
        tpu.wait_indirect_dma semaphore(%run_scoped3A_400 : memref<!tpu.dma_semaphore, #tpu.memory_space<semaphore_mem>>) src(%dma_wait3A_414 : memref<96x128xf32, #tpu.memory_space<vmem>>) dst(%dma_wait3A_420 : memref<10112x128xf32, #tpu.memory_space<vmem_shared>>)
        tpu.yield
      }) : () -> ()
      %run_scoped3A_392 = arith.constant 0 : i32
      "tpu.region"() ({
        %run_scoped3A_400 = tpu.sem_alloc : memref<!tpu.dma_semaphore, #tpu.memory_space<semaphore_mem>>
        %dma_start3A_401 = arith.constant 0 : i32
        %dma_start3A_402 = tpu.memref_slice %arg11[%run_scoped3A_392, %dma_start3A_401] : memref<1x96xi32, #tpu.memory_space<vmem>> -> memref<1x96xi32, #tpu.memory_space<vmem>>
        %dma_start3A_403 = tpu.memref_squeeze %dma_start3A_402 : memref<1x96xi32, #tpu.memory_space<vmem>> -> memref<96xi32, #tpu.memory_space<vmem>>
        %dma_start3A_404 = arith.constant 0 : i32
        %dma_start3A_405 = arith.constant 0 : i32
        %dma_start3A_406 = tpu.memref_slice %arg15[%dma_start3A_404, %dma_start3A_405] : memref<10112x16xf32, #tpu.memory_space<vmem_shared>> -> memref<10112x16xf32, #tpu.memory_space<vmem_shared>>
        tpu.enqueue_indirect_dma source(%arg13 : memref<96x16xf32, #tpu.memory_space<vmem>>) target(%dma_start3A_406 : memref<10112x16xf32, #tpu.memory_space<vmem_shared>>) offsets(%dma_start3A_403 : memref<96xi32, #tpu.memory_space<vmem>>) semaphore(%run_scoped3A_400 : memref<!tpu.dma_semaphore, #tpu.memory_space<semaphore_mem>>) {add = true}
        %dma_wait3A_407 = arith.constant 0 : i32
        %dma_wait3A_408 = tpu.memref_slice %arg11[%run_scoped3A_392, %dma_wait3A_407] : memref<1x96xi32, #tpu.memory_space<vmem>> -> memref<1x96xi32, #tpu.memory_space<vmem>>
        %dma_wait3A_409 = tpu.memref_squeeze %dma_wait3A_408 : memref<1x96xi32, #tpu.memory_space<vmem>> -> memref<96xi32, #tpu.memory_space<vmem>>
        %dma_wait3A_410 = arith.constant 0 : i32
        %dma_wait3A_411 = arith.constant 0 : i32
        %dma_wait3A_412 = tpu.memref_slice %arg15[%dma_wait3A_410, %dma_wait3A_411] : memref<10112x16xf32, #tpu.memory_space<vmem_shared>> -> memref<10112x16xf32, #tpu.memory_space<vmem_shared>>
        tpu.wait_indirect_dma semaphore(%run_scoped3A_400 : memref<!tpu.dma_semaphore, #tpu.memory_space<semaphore_mem>>) src(%arg13 : memref<96x16xf32, #tpu.memory_space<vmem>>) dst(%dma_wait3A_412 : memref<10112x16xf32, #tpu.memory_space<vmem_shared>>)
        tpu.yield
      }) : () -> ()
      %add3A_393 = arith.constant 2 : i32
      %add3A_394 = arith.addi %add3A_299, %add3A_393 : i32
      %lt3A_395 = arith.constant 108 : i32
      %lt3A_396 = arith.cmpi slt, %add3A_394, %lt3A_395 : i32
      %convert_element_type3A_397 = arith.extui %lt3A_396 : i1 to i32
      %cond3A_398 = arith.constant 0 : i32
      %cond3A_399 = arith.cmpi ne, %convert_element_type3A_397, %cond3A_398 : i32
      scf.if %cond3A_399 {
        %get3A_400 = arith.index_cast %add3A_394 : i32 to index
        %get3A_401 = arith.constant 0 : index
        %get3A_402 = tpu.vector_load %arg9[%get3A_400, %get3A_401] {strides = array<i32>} : memref<108x96xi32, #tpu.memory_space<vmem>>, vector<1x16xi32>,
        %get3A_403 = vector.shape_cast %get3A_402 : vector<1x16xi32> to vector<16xi32>
        %and3A_404 = arith.constant 16383 : i32
        %and3A_405 = vector.broadcast %and3A_404 : i32 to vector<16xi32>
        %and3A_406 = arith.andi %get3A_403, %and3A_405 : vector<16xi32>
        %swap3A_407 = arith.constant 1 : i32
        %swap3A_408 = arith.index_cast %swap3A_407 : i32 to index
        %swap3A_409 = arith.constant 0 : index
        %swap3A_410 = tpu.vector_load %arg10[%swap3A_408, %swap3A_409] {strides = array<i32>} : memref<2x96xi32, #tpu.memory_space<vmem>>, vector<1x16xi32>,
        %swap3A_411 = vector.shape_cast %swap3A_410 : vector<1x16xi32> to vector<16xi32>
        %swap3A_412 = vector.shape_cast %and3A_406 : vector<16xi32> to vector<1x16xi32>
        tpu.vector_store %arg10[%swap3A_408, %swap3A_409], %swap3A_412 {strides = array<i32>} : memref<2x96xi32, #tpu.memory_space<vmem>>, vector<1x16xi32>,
        %get3A_413 = arith.index_cast %add3A_394 : i32 to index
        %get3A_414 = arith.constant 16 : index
        %get3A_415 = tpu.vector_load %arg9[%get3A_413, %get3A_414] {strides = array<i32>} : memref<108x96xi32, #tpu.memory_space<vmem>>, vector<1x16xi32>,
        %get3A_416 = vector.shape_cast %get3A_415 : vector<1x16xi32> to vector<16xi32>
        %and3A_417 = arith.constant 16383 : i32
        %and3A_418 = vector.broadcast %and3A_417 : i32 to vector<16xi32>
        %and3A_419 = arith.andi %get3A_416, %and3A_418 : vector<16xi32>
        %swap3A_420 = arith.constant 1 : i32
        %swap3A_421 = arith.index_cast %swap3A_420 : i32 to index
        %swap3A_422 = arith.constant 16 : index
        %swap3A_423 = tpu.vector_load %arg10[%swap3A_421, %swap3A_422] {strides = array<i32>} : memref<2x96xi32, #tpu.memory_space<vmem>>, vector<1x16xi32>,
        %swap3A_424 = vector.shape_cast %swap3A_423 : vector<1x16xi32> to vector<16xi32>
        %swap3A_425 = vector.shape_cast %and3A_419 : vector<16xi32> to vector<1x16xi32>
        tpu.vector_store %arg10[%swap3A_421, %swap3A_422], %swap3A_425 {strides = array<i32>} : memref<2x96xi32, #tpu.memory_space<vmem>>, vector<1x16xi32>,
        %get3A_426 = arith.index_cast %add3A_394 : i32 to index
        %get3A_427 = arith.constant 32 : index
        %get3A_428 = tpu.vector_load %arg9[%get3A_426, %get3A_427] {strides = array<i32>} : memref<108x96xi32, #tpu.memory_space<vmem>>, vector<1x16xi32>,
        %get3A_429 = vector.shape_cast %get3A_428 : vector<1x16xi32> to vector<16xi32>
        %and3A_430 = arith.constant 16383 : i32
        %and3A_431 = vector.broadcast %and3A_430 : i32 to vector<16xi32>
        %and3A_432 = arith.andi %get3A_429, %and3A_431 : vector<16xi32>
        %swap3A_433 = arith.constant 1 : i32
        %swap3A_434 = arith.index_cast %swap3A_433 : i32 to index
        %swap3A_435 = arith.constant 32 : index
        %swap3A_436 = tpu.vector_load %arg10[%swap3A_434, %swap3A_435] {strides = array<i32>} : memref<2x96xi32, #tpu.memory_space<vmem>>, vector<1x16xi32>,
        %swap3A_437 = vector.shape_cast %swap3A_436 : vector<1x16xi32> to vector<16xi32>
        %swap3A_438 = vector.shape_cast %and3A_432 : vector<16xi32> to vector<1x16xi32>
        tpu.vector_store %arg10[%swap3A_434, %swap3A_435], %swap3A_438 {strides = array<i32>} : memref<2x96xi32, #tpu.memory_space<vmem>>, vector<1x16xi32>,
        %get3A_439 = arith.index_cast %add3A_394 : i32 to index
        %get3A_440 = arith.constant 48 : index
        %get3A_441 = tpu.vector_load %arg9[%get3A_439, %get3A_440] {strides = array<i32>} : memref<108x96xi32, #tpu.memory_space<vmem>>, vector<1x16xi32>,
        %get3A_442 = vector.shape_cast %get3A_441 : vector<1x16xi32> to vector<16xi32>
        %and3A_443 = arith.constant 16383 : i32
        %and3A_444 = vector.broadcast %and3A_443 : i32 to vector<16xi32>
        %and3A_445 = arith.andi %get3A_442, %and3A_444 : vector<16xi32>
        %swap3A_446 = arith.constant 1 : i32
        %swap3A_447 = arith.index_cast %swap3A_446 : i32 to index
        %swap3A_448 = arith.constant 48 : index
        %swap3A_449 = tpu.vector_load %arg10[%swap3A_447, %swap3A_448] {strides = array<i32>} : memref<2x96xi32, #tpu.memory_space<vmem>>, vector<1x16xi32>,
        %swap3A_450 = vector.shape_cast %swap3A_449 : vector<1x16xi32> to vector<16xi32>
        %swap3A_451 = vector.shape_cast %and3A_445 : vector<16xi32> to vector<1x16xi32>
        tpu.vector_store %arg10[%swap3A_447, %swap3A_448], %swap3A_451 {strides = array<i32>} : memref<2x96xi32, #tpu.memory_space<vmem>>, vector<1x16xi32>,
        %get3A_452 = arith.index_cast %add3A_394 : i32 to index
        %get3A_453 = arith.constant 64 : index
        %get3A_454 = tpu.vector_load %arg9[%get3A_452, %get3A_453] {strides = array<i32>} : memref<108x96xi32, #tpu.memory_space<vmem>>, vector<1x16xi32>,
        %get3A_455 = vector.shape_cast %get3A_454 : vector<1x16xi32> to vector<16xi32>
        %and3A_456 = arith.constant 16383 : i32
        %and3A_457 = vector.broadcast %and3A_456 : i32 to vector<16xi32>
        %and3A_458 = arith.andi %get3A_455, %and3A_457 : vector<16xi32>
        %swap3A_459 = arith.constant 1 : i32
        %swap3A_460 = arith.index_cast %swap3A_459 : i32 to index
        %swap3A_461 = arith.constant 64 : index
        %swap3A_462 = tpu.vector_load %arg10[%swap3A_460, %swap3A_461] {strides = array<i32>} : memref<2x96xi32, #tpu.memory_space<vmem>>, vector<1x16xi32>,
        %swap3A_463 = vector.shape_cast %swap3A_462 : vector<1x16xi32> to vector<16xi32>
        %swap3A_464 = vector.shape_cast %and3A_458 : vector<16xi32> to vector<1x16xi32>
        tpu.vector_store %arg10[%swap3A_460, %swap3A_461], %swap3A_464 {strides = array<i32>} : memref<2x96xi32, #tpu.memory_space<vmem>>, vector<1x16xi32>,
        %get3A_465 = arith.index_cast %add3A_394 : i32 to index
        %get3A_466 = arith.constant 80 : index
        %get3A_467 = tpu.vector_load %arg9[%get3A_465, %get3A_466] {strides = array<i32>} : memref<108x96xi32, #tpu.memory_space<vmem>>, vector<1x16xi32>,
        %get3A_468 = vector.shape_cast %get3A_467 : vector<1x16xi32> to vector<16xi32>
        %and3A_469 = arith.constant 16383 : i32
        %and3A_470 = vector.broadcast %and3A_469 : i32 to vector<16xi32>
        %and3A_471 = arith.andi %get3A_468, %and3A_470 : vector<16xi32>
        %swap3A_472 = arith.constant 1 : i32
        %swap3A_473 = arith.index_cast %swap3A_472 : i32 to index
        %swap3A_474 = arith.constant 80 : index
        %swap3A_475 = tpu.vector_load %arg10[%swap3A_473, %swap3A_474] {strides = array<i32>} : memref<2x96xi32, #tpu.memory_space<vmem>>, vector<1x16xi32>,
        %swap3A_476 = vector.shape_cast %swap3A_475 : vector<1x16xi32> to vector<16xi32>
        %swap3A_477 = vector.shape_cast %and3A_471 : vector<16xi32> to vector<1x16xi32>
        tpu.vector_store %arg10[%swap3A_473, %swap3A_474], %swap3A_477 {strides = array<i32>} : memref<2x96xi32, #tpu.memory_space<vmem>>, vector<1x16xi32>,
        %dma_start3A_478 = arith.constant 1 : i32
        %dma_start3A_479 = arith.constant 1 : i32
        %dma_start3A_480 = arith.constant 0 : i32
        %dma_start3A_481 = arith.constant 0 : i32
        %dma_start3A_482 = tpu.memref_slice %arg12[%dma_start3A_479, %dma_start3A_480, %dma_start3A_481] : memref<2x96x128xf32, #tpu.memory_space<vmem>> -> memref<1x96x128xf32, #tpu.memory_space<vmem>>
        %dma_start3A_483 = tpu.memref_squeeze %dma_start3A_482 : memref<1x96x128xf32, #tpu.memory_space<vmem>> -> memref<96x128xf32, #tpu.memory_space<vmem>>
        %dma_start3A_484 = arith.constant 0 : i32
        %dma_start3A_485 = tpu.memref_slice %arg10[%dma_start3A_478, %dma_start3A_484] : memref<2x96xi32, #tpu.memory_space<vmem>> -> memref<1x96xi32, #tpu.memory_space<vmem>>
        %dma_start3A_486 = tpu.memref_squeeze %dma_start3A_485 : memref<1x96xi32, #tpu.memory_space<vmem>> -> memref<96xi32, #tpu.memory_space<vmem>>
        %dma_start3A_487 = arith.constant 0 : i32
        %dma_start3A_488 = arith.constant 0 : i32
        %dma_start3A_489 = tpu.memref_slice %arg2[%dma_start3A_487, %dma_start3A_488] : memref<10000x128xf32, #tpu.memory_space<hbm>> -> memref<10000x128xf32, #tpu.memory_space<hbm>>
        tpu.enqueue_indirect_dma source(%dma_start3A_489 : memref<10000x128xf32, #tpu.memory_space<hbm>>) target(%dma_start3A_483 : memref<96x128xf32, #tpu.memory_space<vmem>>) offsets(%dma_start3A_486 : memref<96xi32, #tpu.memory_space<vmem>>) semaphore(%arg16 : memref<!tpu.dma_semaphore, #tpu.memory_space<semaphore_mem>>)
      } else {
      }
    }
    %scan3A_195 = arith.constant 54 : i32
    %barrier3A_196 = arith.constant 0 : index
    tpu.barrier barrier_id(%barrier3A_196)
    "tpu.region"() ({
      %run_scoped3A = tpu.sem_alloc : memref<!tpu.dma_semaphore, #tpu.memory_space<semaphore_mem>>
      %dma_start3A_197 = arith.constant 0 : i32
      %dma_start3A_198 = tpu.memref_slice %arg7[%arg0, %mul3A_2, %dma_start3A_197] : memref<2x10112x128xf32, #tpu.memory_space<hbm>> -> memref<1x632x128xf32, #tpu.memory_space<hbm>>
      %dma_start3A_199 = tpu.memref_squeeze %dma_start3A_198 : memref<1x632x128xf32, #tpu.memory_space<hbm>> -> memref<632x128xf32, #tpu.memory_space<hbm>>
      %dma_start3A_200 = arith.constant 0 : i32
      %dma_start3A_201 = tpu.memref_slice %arg14[%mul3A_2, %dma_start3A_200] : memref<10112x128xf32, #tpu.memory_space<vmem_shared>> -> memref<632x128xf32, #tpu.memory_space<vmem_shared>>
      tpu.enqueue_dma source(%dma_start3A_201 : memref<632x128xf32, #tpu.memory_space<vmem_shared>>) target(%dma_start3A_199 : memref<632x128xf32, #tpu.memory_space<hbm>>) target_semaphore(%run_scoped3A : memref<!tpu.dma_semaphore, #tpu.memory_space<semaphore_mem>>)
      %dma_wait3A = arith.constant 0 : i32
      %dma_wait3A_202 = tpu.memref_slice %arg7[%arg0, %mul3A_2, %dma_wait3A] : memref<2x10112x128xf32, #tpu.memory_space<hbm>> -> memref<1x632x128xf32, #tpu.memory_space<hbm>>
      %dma_wait3A_203 = tpu.memref_squeeze %dma_wait3A_202 : memref<1x632x128xf32, #tpu.memory_space<hbm>> -> memref<632x128xf32, #tpu.memory_space<hbm>>
      %dma_wait3A_204 = arith.constant 0 : i32
      %dma_wait3A_205 = tpu.memref_slice %arg14[%mul3A_2, %dma_wait3A_204] : memref<10112x128xf32, #tpu.memory_space<vmem_shared>> -> memref<632x128xf32, #tpu.memory_space<vmem_shared>>
      tpu.wait_dma2 semaphore(%run_scoped3A : memref<!tpu.dma_semaphore, #tpu.memory_space<semaphore_mem>>) src(%dma_wait3A_205 : memref<632x128xf32, #tpu.memory_space<vmem_shared>>) dst(%dma_wait3A_203 : memref<632x128xf32, #tpu.memory_space<hbm>>)
      tpu.yield
    }) : () -> ()
    "tpu.region"() ({
      %run_scoped3A = tpu.sem_alloc : memref<!tpu.dma_semaphore, #tpu.memory_space<semaphore_mem>>
      %dma_start3A_197 = arith.constant 0 : i32
      %dma_start3A_198 = tpu.memref_slice %arg8[%arg0, %mul3A_2, %dma_start3A_197] : memref<2x10112x16xf32, #tpu.memory_space<hbm>> -> memref<1x632x16xf32, #tpu.memory_space<hbm>>
      %dma_start3A_199 = tpu.memref_squeeze %dma_start3A_198 : memref<1x632x16xf32, #tpu.memory_space<hbm>> -> memref<632x16xf32, #tpu.memory_space<hbm>>
      %dma_start3A_200 = arith.constant 0 : i32
      %dma_start3A_201 = tpu.memref_slice %arg15[%mul3A_2, %dma_start3A_200] : memref<10112x16xf32, #tpu.memory_space<vmem_shared>> -> memref<632x16xf32, #tpu.memory_space<vmem_shared>>
      tpu.enqueue_dma source(%dma_start3A_201 : memref<632x16xf32, #tpu.memory_space<vmem_shared>>) target(%dma_start3A_199 : memref<632x16xf32, #tpu.memory_space<hbm>>) target_semaphore(%run_scoped3A : memref<!tpu.dma_semaphore, #tpu.memory_space<semaphore_mem>>)
      %dma_wait3A = arith.constant 0 : i32
      %dma_wait3A_202 = tpu.memref_slice %arg8[%arg0, %mul3A_2, %dma_wait3A] : memref<2x10112x16xf32, #tpu.memory_space<hbm>> -> memref<1x632x16xf32, #tpu.memory_space<hbm>>
      %dma_wait3A_203 = tpu.memref_squeeze %dma_wait3A_202 : memref<1x632x16xf32, #tpu.memory_space<hbm>> -> memref<632x16xf32, #tpu.memory_space<hbm>>
      %dma_wait3A_204 = arith.constant 0 : i32
      %dma_wait3A_205 = tpu.memref_slice %arg15[%mul3A_2, %dma_wait3A_204] : memref<10112x16xf32, #tpu.memory_space<vmem_shared>> -> memref<632x16xf32, #tpu.memory_space<vmem_shared>>
      tpu.wait_dma2 semaphore(%run_scoped3A : memref<!tpu.dma_semaphore, #tpu.memory_space<semaphore_mem>>) src(%dma_wait3A_205 : memref<632x16xf32, #tpu.memory_space<vmem_shared>>) dst(%dma_wait3A_203 : memref<632x16xf32, #tpu.memory_space<hbm>>)
      tpu.yield
    }) : () -> ()
    return
  }
}

module attributes {stable_mosaic.version = 14 : i64} {
  func.func @_node_body(%arg0: i32, %arg1: memref<5000x128xf32, #tpu.memory_space<vmem>>, %arg2: memref<1x5000x128xf32, #tpu.memory_space<vmem>>, %arg3: memref<1x5000x128xf32, #tpu.memory_space<vmem>>, %arg4: memref<1x5000x16xf32, #tpu.memory_space<vmem>>, %arg5: memref<1x5000x16xf32, #tpu.memory_space<vmem>>, %arg6: memref<112x128xf32, #tpu.memory_space<vmem>>, %arg7: memref<112x128xf32, #tpu.memory_space<vmem>>, %arg8: memref<128x256xf32, #tpu.memory_space<vmem>>, %arg9: memref<8x256xf32, #tpu.memory_space<vmem>>, %arg10: memref<5000x256xf32, #tpu.memory_space<vmem>>) attributes {dimension_semantics = [#tpu.dimension_semantics<arbitrary>], iteration_bounds = array<i64: 2>, scalar_prefetch = 0 : i64, scratch_operands = 0 : i64, tpu.core_type = #tpu.core_type<tc>, window_params = [{transform_indices = @transform_0, window_bounds = array<i64: 5000, 128>}, {transform_indices = @transform_1, window_bounds = array<i64: 1, 5000, 128>}, {transform_indices = @transform_2, window_bounds = array<i64: 1, 5000, 128>}, {transform_indices = @transform_3, window_bounds = array<i64: 1, 5000, 16>}, {transform_indices = @transform_4, window_bounds = array<i64: 1, 5000, 16>}, {pipeline_mode = #tpu.pipeline_mode<synchronous>, transform_indices = @transform_5, window_bounds = array<i64: 112, 128>}, {pipeline_mode = #tpu.pipeline_mode<synchronous>, transform_indices = @transform_6, window_bounds = array<i64: 112, 128>}, {pipeline_mode = #tpu.pipeline_mode<synchronous>, transform_indices = @transform_7, window_bounds = array<i64: 128, 256>}, {pipeline_mode = #tpu.pipeline_mode<synchronous>, transform_indices = @transform_8, window_bounds = array<i64: 8, 256>}, {transform_indices = @transform_9, window_bounds = array<i64: 5000, 256>}]} {
    %get3A = arith.constant 96 : index
    %get3A_0 = arith.constant 0 : index
    %get3A_1 = vector.load %arg6[%get3A, %get3A_0] : memref<112x128xf32, #tpu.memory_space<vmem>>, vector<16x128xf32>
    %get3A_2 = arith.constant 96 : index
    %get3A_3 = arith.constant 0 : index
    %get3A_4 = vector.load %arg7[%get3A_2, %get3A_3] : memref<112x128xf32, #tpu.memory_space<vmem>>, vector<16x128xf32>
    %add3A = arith.addf %get3A_1, %get3A_4 : vector<16x128xf32>
    %reduce_sum3A = arith.constant dense<0.000000e+00> : vector<128xf32>
    %reduce_sum3A_5 = vector.multi_reduction <add>, %add3A, %reduce_sum3A [0] : vector<16x128xf32> to vector<128xf32>
    %broadcast_in_dim3A = vector.shape_cast %reduce_sum3A_5 : vector<128xf32> to vector<1x128xf32>
    %mul3A = arith.constant 9.99999974E-5 : f32
    %mul3A_6 = vector.broadcast %mul3A : f32 to vector<1x128xf32>
    %mul3A_7 = arith.mulf %broadcast_in_dim3A, %mul3A_6 : vector<1x128xf32>
    %get3A_8 = arith.constant 0 : index
    %get3A_9 = arith.constant 0 : index
    %get3A_10 = arith.constant 0 : index
    %get3A_11 = vector.load %arg2[%get3A_8, %get3A_9, %get3A_10] : memref<1x5000x128xf32, #tpu.memory_space<vmem>>, vector<1x5000x128xf32>
    %get3A_12 = vector.shape_cast %get3A_11 : vector<1x5000x128xf32> to vector<5000x128xf32>
    %get3A_13 = arith.constant 0 : index
    %get3A_14 = arith.constant 0 : index
    %get3A_15 = arith.constant 0 : index
    %get3A_16 = vector.load %arg3[%get3A_13, %get3A_14, %get3A_15] : memref<1x5000x128xf32, #tpu.memory_space<vmem>>, vector<1x5000x128xf32>
    %get3A_17 = vector.shape_cast %get3A_16 : vector<1x5000x128xf32> to vector<5000x128xf32>
    %add3A_18 = arith.addf %get3A_12, %get3A_17 : vector<5000x128xf32>
    %get3A_19 = arith.constant 0 : index
    %get3A_20 = arith.constant 0 : index
    %get3A_21 = arith.constant 0 : index
    %get3A_22 = vector.load %arg4[%get3A_19, %get3A_20, %get3A_21] : memref<1x5000x16xf32, #tpu.memory_space<vmem>>, vector<1x5000x1xf32>
    %get3A_23 = vector.shape_cast %get3A_22 : vector<1x5000x1xf32> to vector<5000x1xf32>
    %get3A_24 = arith.constant 0 : index
    %get3A_25 = arith.constant 0 : index
    %get3A_26 = arith.constant 0 : index
    %get3A_27 = vector.load %arg5[%get3A_24, %get3A_25, %get3A_26] : memref<1x5000x16xf32, #tpu.memory_space<vmem>>, vector<1x5000x1xf32>
    %get3A_28 = vector.shape_cast %get3A_27 : vector<1x5000x1xf32> to vector<5000x1xf32>
    %add3A_29 = arith.addf %get3A_23, %get3A_28 : vector<5000x1xf32>
    %get3A_30 = arith.constant 0 : index
    %get3A_31 = arith.constant 0 : index
    %get3A_32 = vector.load %arg1[%get3A_30, %get3A_31] : memref<5000x128xf32, #tpu.memory_space<vmem>>, vector<5000x128xf32>
    %add3A_33 = vector.broadcast %mul3A_7 : vector<1x128xf32> to vector<5000x128xf32>
    %add3A_34 = arith.addf %get3A_32, %add3A_33 : vector<5000x128xf32>
    %mul3A_35 = vector.broadcast %add3A_29 : vector<5000x1xf32> to vector<5000x128xf32>
    %mul3A_36 = vector.broadcast %mul3A_7 : vector<1x128xf32> to vector<5000x128xf32>
    %mul3A_37 = arith.mulf %mul3A_35, %mul3A_36 : vector<5000x128xf32>
    %add3A_38 = arith.addf %add3A_18, %mul3A_37 : vector<5000x128xf32>
    %mul3A_39 = arith.mulf %add3A_34, %add3A_38 : vector<5000x128xf32>
    %max3A = arith.constant 1.000000e+00 : f32
    %max3A_40 = vector.broadcast %max3A : f32 to vector<5000x1xf32>
    %max3A_41 = arith.maximumf %add3A_29, %max3A_40 : vector<5000x1xf32>
    %div3A = vector.broadcast %max3A_41 : vector<5000x1xf32> to vector<5000x128xf32>
    %div3A_42 = arith.divf %mul3A_39, %div3A : vector<5000x128xf32>
    %get3A_43 = arith.constant 0 : index
    %get3A_44 = arith.constant 0 : index
    %get3A_45 = vector.load %arg8[%get3A_43, %get3A_44] : memref<128x256xf32, #tpu.memory_space<vmem>>, vector<128x256xf32>
    %dot_general3A = arith.constant dense<0.000000e+00> : vector<5000x256xf32>
    %dot_general3A_46 = tpu.matmul %div3A_42, %get3A_45, %dot_general3A {dimension_numbers = #tpu.dot_dimension_numbers<[1], [0], [0], [1], [0, 0, 1, 1], [], []>, transpose_lhs_hint = false} : vector<5000x128xf32>, vector<128x256xf32>, vector<5000x256xf32> -> vector<5000x256xf32>
    %get3A_47 = arith.constant 0 : index
    %get3A_48 = arith.constant 0 : index
    %get3A_49 = vector.load %arg9[%get3A_47, %get3A_48] : memref<8x256xf32, #tpu.memory_space<vmem>>, vector<1x256xf32>
    %add3A_50 = vector.broadcast %get3A_49 : vector<1x256xf32> to vector<5000x256xf32>
    %add3A_51 = arith.addf %dot_general3A_46, %add3A_50 : vector<5000x256xf32>
    %swap3A = arith.constant 0 : index
    %swap3A_52 = arith.constant 0 : index
    %swap3A_53 = vector.load %arg10[%swap3A, %swap3A_52] : memref<5000x256xf32, #tpu.memory_space<vmem>>, vector<5000x256xf32>
    tpu.vector_store %arg10[%swap3A, %swap3A_52], %add3A_51 {strides = array<i32>} : memref<5000x256xf32, #tpu.memory_space<vmem>>, vector<5000x256xf32>,
    return
  }
  func.func @transform_0(%arg0: i32) -> (i32, i32) {
    %c0_i32 = arith.constant 0 : i32
    %c0_i32_0 = arith.constant 0 : i32
    return %arg0, %c0_i32 : i32, i32
  }
  func.func @transform_1(%arg0: i32) -> (i32, i32, i32) {
    %c0_i32 = arith.constant 0 : i32
    %c0_i32_0 = arith.constant 0 : i32
    %c0_i32_1 = arith.constant 0 : i32
    return %c0_i32, %arg0, %c0_i32_0 : i32, i32, i32
  }
  func.func @transform_2(%arg0: i32) -> (i32, i32, i32) {
    %c1_i32 = arith.constant 1 : i32
    %c0_i32 = arith.constant 0 : i32
    %c0_i32_0 = arith.constant 0 : i32
    return %c1_i32, %arg0, %c0_i32 : i32, i32, i32
  }
  func.func @transform_3(%arg0: i32) -> (i32, i32, i32) {
    %c0_i32 = arith.constant 0 : i32
    %c0_i32_0 = arith.constant 0 : i32
    %c0_i32_1 = arith.constant 0 : i32
    return %c0_i32, %arg0, %c0_i32_0 : i32, i32, i32
  }
  func.func @transform_4(%arg0: i32) -> (i32, i32, i32) {
    %c1_i32 = arith.constant 1 : i32
    %c0_i32 = arith.constant 0 : i32
    %c0_i32_0 = arith.constant 0 : i32
    return %c1_i32, %arg0, %c0_i32 : i32, i32, i32
  }
  func.func @transform_5(%arg0: i32) -> (i32, i32) {
    %c0_i32 = arith.constant 0 : i32
    %c0_i32_0 = arith.constant 0 : i32
    %c0_i32_1 = arith.constant 0 : i32
    return %c0_i32, %c0_i32_0 : i32, i32
  }
  func.func @transform_6(%arg0: i32) -> (i32, i32) {
    %c0_i32 = arith.constant 0 : i32
    %c0_i32_0 = arith.constant 0 : i32
    %c0_i32_1 = arith.constant 0 : i32
    return %c0_i32, %c0_i32_0 : i32, i32
  }
  func.func @transform_7(%arg0: i32) -> (i32, i32) {
    %c0_i32 = arith.constant 0 : i32
    %c0_i32_0 = arith.constant 0 : i32
    %c0_i32_1 = arith.constant 0 : i32
    return %c0_i32, %c0_i32_0 : i32, i32
  }
  func.func @transform_8(%arg0: i32) -> (i32, i32) {
    %c0_i32 = arith.constant 0 : i32
    %c0_i32_0 = arith.constant 0 : i32
    %c0_i32_1 = arith.constant 0 : i32
    return %c0_i32, %c0_i32_0 : i32, i32
  }
  func.func @transform_9(%arg0: i32) -> (i32, i32) {
    %c0_i32 = arith.constant 0 : i32
    %c0_i32_0 = arith.constant 0 : i32
    return %arg0, %c0_i32 : i32, i32
  }
}

module attributes {stable_mosaic.version = 14 : i64} {
  func.func @_head_body(%arg0: i32, %arg1: memref<2048x256xf32, #tpu.memory_space<vmem>>, %arg2: memref<2048x256xf32, #tpu.memory_space<vmem>>, %arg3: memref<256x256xf32, #tpu.memory_space<vmem>>, %arg4: memref<256x8xf32, #tpu.memory_space<vmem>>, %arg5: memref<8x256xf32, #tpu.memory_space<vmem>>, %arg6: memref<8x256xf32, #tpu.memory_space<vmem>>, %arg7: memref<8x256xf32, #tpu.memory_space<vmem>>, %arg8: memref<8x2xf32, #tpu.memory_space<vmem>>, %arg9: memref<8x2xf32, #tpu.memory_space<vmem>>, %arg10: memref<8x2xf32, #tpu.memory_space<vmem>>, %arg11: memref<2048x2xf32, #tpu.memory_space<vmem>>) attributes {dimension_semantics = [#tpu.dimension_semantics<arbitrary>], iteration_bounds = array<i64: 2>, scalar_prefetch = 0 : i64, scratch_operands = 0 : i64, tpu.core_type = #tpu.core_type<tc>, window_params = [{transform_indices = @transform_0, window_bounds = array<i64: 2048, 256>}, {transform_indices = @transform_1, window_bounds = array<i64: 2048, 256>}, {pipeline_mode = #tpu.pipeline_mode<synchronous>, transform_indices = @transform_2, window_bounds = array<i64: 256, 256>}, {pipeline_mode = #tpu.pipeline_mode<synchronous>, transform_indices = @transform_3, window_bounds = array<i64: 256, 8>}, {pipeline_mode = #tpu.pipeline_mode<synchronous>, transform_indices = @transform_4, window_bounds = array<i64: 8, 256>}, {pipeline_mode = #tpu.pipeline_mode<synchronous>, transform_indices = @transform_5, window_bounds = array<i64: 8, 256>}, {pipeline_mode = #tpu.pipeline_mode<synchronous>, transform_indices = @transform_6, window_bounds = array<i64: 8, 256>}, {pipeline_mode = #tpu.pipeline_mode<synchronous>, transform_indices = @transform_7, window_bounds = array<i64: 8, 2>}, {pipeline_mode = #tpu.pipeline_mode<synchronous>, transform_indices = @transform_8, window_bounds = array<i64: 8, 2>}, {pipeline_mode = #tpu.pipeline_mode<synchronous>, transform_indices = @transform_9, window_bounds = array<i64: 8, 2>}, {transform_indices = @transform_10, window_bounds = array<i64: 2048, 2>}]} {
    %get3A = arith.constant 0 : index
    %get3A_0 = arith.constant 0 : index
    %get3A_1 = vector.load %arg1[%get3A, %get3A_0] : memref<2048x256xf32, #tpu.memory_space<vmem>>, vector<2048x256xf32>
    %get3A_2 = arith.constant 0 : index
    %get3A_3 = arith.constant 0 : index
    %get3A_4 = vector.load %arg3[%get3A_2, %get3A_3] : memref<256x256xf32, #tpu.memory_space<vmem>>, vector<256x256xf32>
    %dot_general3A = arith.constant dense<0.000000e+00> : vector<2048x256xf32>
    %dot_general3A_5 = tpu.matmul %get3A_1, %get3A_4, %dot_general3A {dimension_numbers = #tpu.dot_dimension_numbers<[1], [0], [0], [1], [0, 0, 1, 1], [], []>, transpose_lhs_hint = false} : vector<2048x256xf32>, vector<256x256xf32>, vector<2048x256xf32> -> vector<2048x256xf32>
    %get3A_6 = arith.constant 0 : index
    %get3A_7 = arith.constant 0 : index
    %get3A_8 = vector.load %arg6[%get3A_6, %get3A_7] : memref<8x256xf32, #tpu.memory_space<vmem>>, vector<1x256xf32>
    %mul3A = vector.broadcast %get3A_8 : vector<1x256xf32> to vector<2048x256xf32>
    %mul3A_9 = arith.mulf %dot_general3A_5, %mul3A : vector<2048x256xf32>
    %get3A_10 = arith.constant 0 : index
    %get3A_11 = arith.constant 0 : index
    %get3A_12 = vector.load %arg4[%get3A_10, %get3A_11] : memref<256x8xf32, #tpu.memory_space<vmem>>, vector<256x8xf32>
    %dot_general3A_13 = arith.constant dense<0.000000e+00> : vector<2048x8xf32>
    %dot_general3A_14 = tpu.matmul %mul3A_9, %get3A_12, %dot_general3A_13 {dimension_numbers = #tpu.dot_dimension_numbers<[1], [0], [0], [1], [0, 0, 1, 1], [], []>, transpose_lhs_hint = false} : vector<2048x256xf32>, vector<256x8xf32>, vector<2048x8xf32> -> vector<2048x8xf32>
    %reduce_max3A = arith.constant dense<0xFF800000> : vector<2048xf32>
    %reduce_max3A_15 = vector.multi_reduction <maximumf>, %dot_general3A_14, %reduce_max3A [1] : vector<2048x8xf32> to vector<2048xf32>
    %broadcast_in_dim3A = vector.shape_cast %reduce_max3A_15 : vector<2048xf32> to vector<2048x1xf32>
    %sub3A = vector.broadcast %broadcast_in_dim3A : vector<2048x1xf32> to vector<2048x8xf32>
    %sub3A_16 = arith.subf %dot_general3A_14, %sub3A : vector<2048x8xf32>
    %exp3A = math.exp %sub3A_16 : vector<2048x8xf32>
    %reduce_sum3A = arith.constant dense<0.000000e+00> : vector<2048xf32>
    %reduce_sum3A_17 = vector.multi_reduction <add>, %exp3A, %reduce_sum3A [1] : vector<2048x8xf32> to vector<2048xf32>
    %broadcast_in_dim3A_18 = vector.shape_cast %reduce_sum3A_17 : vector<2048xf32> to vector<2048x1xf32>
    %div3A = vector.broadcast %broadcast_in_dim3A_18 : vector<2048x1xf32> to vector<2048x8xf32>
    %div3A_19 = arith.divf %exp3A, %div3A : vector<2048x8xf32>
    %get3A_20 = arith.constant 0 : index
    %get3A_21 = arith.constant 0 : index
    %get3A_22 = vector.load %arg5[%get3A_20, %get3A_21] : memref<8x256xf32, #tpu.memory_space<vmem>>, vector<8x256xf32>
    %dot_general3A_23 = arith.constant dense<0.000000e+00> : vector<2048x256xf32>
    %dot_general3A_24 = tpu.matmul %div3A_19, %get3A_22, %dot_general3A_23 {dimension_numbers = #tpu.dot_dimension_numbers<[1], [0], [0], [1], [0, 0, 1, 1], [], []>, transpose_lhs_hint = false} : vector<2048x8xf32>, vector<8x256xf32>, vector<2048x256xf32> -> vector<2048x256xf32>
    %mul3A_25 = arith.mulf %dot_general3A_24, %dot_general3A_5 : vector<2048x256xf32>
    %get3A_26 = arith.constant 0 : index
    %get3A_27 = arith.constant 0 : index
    %get3A_28 = vector.load %arg7[%get3A_26, %get3A_27] : memref<8x256xf32, #tpu.memory_space<vmem>>, vector<1x256xf32>
    %mul3A_29 = vector.broadcast %get3A_28 : vector<1x256xf32> to vector<2048x256xf32>
    %mul3A_30 = arith.mulf %mul3A_25, %mul3A_29 : vector<2048x256xf32>
    %get3A_31 = arith.constant 0 : index
    %get3A_32 = arith.constant 0 : index
    %get3A_33 = vector.load %arg4[%get3A_31, %get3A_32] : memref<256x8xf32, #tpu.memory_space<vmem>>, vector<256x8xf32>
    %dot_general3A_34 = arith.constant dense<0.000000e+00> : vector<2048x8xf32>
    %dot_general3A_35 = tpu.matmul %mul3A_30, %get3A_33, %dot_general3A_34 {dimension_numbers = #tpu.dot_dimension_numbers<[1], [0], [0], [1], [0, 0, 1, 1], [], []>, transpose_lhs_hint = false} : vector<2048x256xf32>, vector<256x8xf32>, vector<2048x8xf32> -> vector<2048x8xf32>
    %get3A_36 = arith.constant 0 : index
    %get3A_37 = arith.constant 0 : index
    %get3A_38 = vector.load %arg2[%get3A_36, %get3A_37] : memref<2048x256xf32, #tpu.memory_space<vmem>>, vector<2048x256xf32>
    %get3A_39 = arith.constant 0 : index
    %get3A_40 = arith.constant 0 : index
    %get3A_41 = vector.load %arg3[%get3A_39, %get3A_40] : memref<256x256xf32, #tpu.memory_space<vmem>>, vector<256x256xf32>
    %dot_general3A_42 = arith.constant dense<0.000000e+00> : vector<2048x256xf32>
    %dot_general3A_43 = tpu.matmul %get3A_38, %get3A_41, %dot_general3A_42 {dimension_numbers = #tpu.dot_dimension_numbers<[1], [0], [0], [1], [0, 0, 1, 1], [], []>, transpose_lhs_hint = false} : vector<2048x256xf32>, vector<256x256xf32>, vector<2048x256xf32> -> vector<2048x256xf32>
    %get3A_44 = arith.constant 0 : index
    %get3A_45 = arith.constant 0 : index
    %get3A_46 = vector.load %arg6[%get3A_44, %get3A_45] : memref<8x256xf32, #tpu.memory_space<vmem>>, vector<1x256xf32>
    %mul3A_47 = vector.broadcast %get3A_46 : vector<1x256xf32> to vector<2048x256xf32>
    %mul3A_48 = arith.mulf %dot_general3A_43, %mul3A_47 : vector<2048x256xf32>
    %get3A_49 = arith.constant 0 : index
    %get3A_50 = arith.constant 0 : index
    %get3A_51 = vector.load %arg4[%get3A_49, %get3A_50] : memref<256x8xf32, #tpu.memory_space<vmem>>, vector<256x8xf32>
    %dot_general3A_52 = arith.constant dense<0.000000e+00> : vector<2048x8xf32>
    %dot_general3A_53 = tpu.matmul %mul3A_48, %get3A_51, %dot_general3A_52 {dimension_numbers = #tpu.dot_dimension_numbers<[1], [0], [0], [1], [0, 0, 1, 1], [], []>, transpose_lhs_hint = false} : vector<2048x256xf32>, vector<256x8xf32>, vector<2048x8xf32> -> vector<2048x8xf32>
    %reduce_max3A_54 = arith.constant dense<0xFF800000> : vector<2048xf32>
    %reduce_max3A_55 = vector.multi_reduction <maximumf>, %dot_general3A_53, %reduce_max3A_54 [1] : vector<2048x8xf32> to vector<2048xf32>
    %broadcast_in_dim3A_56 = vector.shape_cast %reduce_max3A_55 : vector<2048xf32> to vector<2048x1xf32>
    %sub3A_57 = vector.broadcast %broadcast_in_dim3A_56 : vector<2048x1xf32> to vector<2048x8xf32>
    %sub3A_58 = arith.subf %dot_general3A_53, %sub3A_57 : vector<2048x8xf32>
    %exp3A_59 = math.exp %sub3A_58 : vector<2048x8xf32>
    %reduce_sum3A_60 = arith.constant dense<0.000000e+00> : vector<2048xf32>
    %reduce_sum3A_61 = vector.multi_reduction <add>, %exp3A_59, %reduce_sum3A_60 [1] : vector<2048x8xf32> to vector<2048xf32>
    %broadcast_in_dim3A_62 = vector.shape_cast %reduce_sum3A_61 : vector<2048xf32> to vector<2048x1xf32>
    %div3A_63 = vector.broadcast %broadcast_in_dim3A_62 : vector<2048x1xf32> to vector<2048x8xf32>
    %div3A_64 = arith.divf %exp3A_59, %div3A_63 : vector<2048x8xf32>
    %get3A_65 = arith.constant 0 : index
    %get3A_66 = arith.constant 0 : index
    %get3A_67 = vector.load %arg5[%get3A_65, %get3A_66] : memref<8x256xf32, #tpu.memory_space<vmem>>, vector<8x256xf32>
    %dot_general3A_68 = arith.constant dense<0.000000e+00> : vector<2048x256xf32>
    %dot_general3A_69 = tpu.matmul %div3A_64, %get3A_67, %dot_general3A_68 {dimension_numbers = #tpu.dot_dimension_numbers<[1], [0], [0], [1], [0, 0, 1, 1], [], []>, transpose_lhs_hint = false} : vector<2048x8xf32>, vector<8x256xf32>, vector<2048x256xf32> -> vector<2048x256xf32>
    %mul3A_70 = arith.mulf %dot_general3A_69, %dot_general3A_43 : vector<2048x256xf32>
    %get3A_71 = arith.constant 0 : index
    %get3A_72 = arith.constant 0 : index
    %get3A_73 = vector.load %arg7[%get3A_71, %get3A_72] : memref<8x256xf32, #tpu.memory_space<vmem>>, vector<1x256xf32>
    %mul3A_74 = vector.broadcast %get3A_73 : vector<1x256xf32> to vector<2048x256xf32>
    %mul3A_75 = arith.mulf %mul3A_70, %mul3A_74 : vector<2048x256xf32>
    %get3A_76 = arith.constant 0 : index
    %get3A_77 = arith.constant 0 : index
    %get3A_78 = vector.load %arg4[%get3A_76, %get3A_77] : memref<256x8xf32, #tpu.memory_space<vmem>>, vector<256x8xf32>
    %dot_general3A_79 = arith.constant dense<0.000000e+00> : vector<2048x8xf32>
    %dot_general3A_80 = tpu.matmul %mul3A_75, %get3A_78, %dot_general3A_79 {dimension_numbers = #tpu.dot_dimension_numbers<[1], [0], [0], [1], [0, 0, 1, 1], [], []>, transpose_lhs_hint = false} : vector<2048x256xf32>, vector<256x8xf32>, vector<2048x8xf32> -> vector<2048x8xf32>
    %get3A_81 = arith.constant 0 : index
    %get3A_82 = arith.constant 0 : index
    %get3A_83 = vector.load %arg8[%get3A_81, %get3A_82] : memref<8x2xf32, #tpu.memory_space<vmem>>, vector<8x2xf32>
    %dot_general3A_84 = arith.constant dense<0.000000e+00> : vector<2048x2xf32>
    %dot_general3A_85 = tpu.matmul %dot_general3A_35, %get3A_83, %dot_general3A_84 {dimension_numbers = #tpu.dot_dimension_numbers<[1], [0], [0], [1], [0, 0, 1, 1], [], []>, transpose_lhs_hint = false} : vector<2048x8xf32>, vector<8x2xf32>, vector<2048x2xf32> -> vector<2048x2xf32>
    %get3A_86 = arith.constant 0 : index
    %get3A_87 = arith.constant 0 : index
    %get3A_88 = vector.load %arg9[%get3A_86, %get3A_87] : memref<8x2xf32, #tpu.memory_space<vmem>>, vector<8x2xf32>
    %dot_general3A_89 = arith.constant dense<0.000000e+00> : vector<2048x2xf32>
    %dot_general3A_90 = tpu.matmul %dot_general3A_80, %get3A_88, %dot_general3A_89 {dimension_numbers = #tpu.dot_dimension_numbers<[1], [0], [0], [1], [0, 0, 1, 1], [], []>, transpose_lhs_hint = false} : vector<2048x8xf32>, vector<8x2xf32>, vector<2048x2xf32> -> vector<2048x2xf32>
    %add3A = arith.addf %dot_general3A_85, %dot_general3A_90 : vector<2048x2xf32>
    %get3A_91 = arith.constant 0 : index
    %get3A_92 = arith.constant 0 : index
    %get3A_93 = vector.load %arg10[%get3A_91, %get3A_92] : memref<8x2xf32, #tpu.memory_space<vmem>>, vector<1x2xf32>
    %add3A_94 = vector.broadcast %get3A_93 : vector<1x2xf32> to vector<2048x2xf32>
    %add3A_95 = arith.addf %add3A, %add3A_94 : vector<2048x2xf32>
    %reduce_max3A_96 = arith.constant dense<0xFF800000> : vector<2048xf32>
    %reduce_max3A_97 = vector.multi_reduction <maximumf>, %add3A_95, %reduce_max3A_96 [1] : vector<2048x2xf32> to vector<2048xf32>
    %broadcast_in_dim3A_98 = vector.shape_cast %reduce_max3A_97 : vector<2048xf32> to vector<2048x1xf32>
    %sub3A_99 = vector.broadcast %broadcast_in_dim3A_98 : vector<2048x1xf32> to vector<2048x2xf32>
    %sub3A_100 = arith.subf %add3A_95, %sub3A_99 : vector<2048x2xf32>
    %sub3A_101 = vector.broadcast %broadcast_in_dim3A_98 : vector<2048x1xf32> to vector<2048x2xf32>
    %sub3A_102 = arith.subf %add3A_95, %sub3A_101 : vector<2048x2xf32>
    %exp3A_103 = math.exp %sub3A_102 : vector<2048x2xf32>
    %reduce_sum3A_104 = arith.constant dense<0.000000e+00> : vector<2048xf32>
    %reduce_sum3A_105 = vector.multi_reduction <add>, %exp3A_103, %reduce_sum3A_104 [1] : vector<2048x2xf32> to vector<2048xf32>
    %broadcast_in_dim3A_106 = vector.shape_cast %reduce_sum3A_105 : vector<2048xf32> to vector<2048x1xf32>
    %log3A = math.log %broadcast_in_dim3A_106 : vector<2048x1xf32>
    %sub3A_107 = vector.broadcast %log3A : vector<2048x1xf32> to vector<2048x2xf32>
    %sub3A_108 = arith.subf %sub3A_100, %sub3A_107 : vector<2048x2xf32>
    %swap3A = arith.constant 0 : index
    %swap3A_109 = arith.constant 0 : index
    %swap3A_110 = vector.load %arg11[%swap3A, %swap3A_109] : memref<2048x2xf32, #tpu.memory_space<vmem>>, vector<2048x2xf32>
    tpu.vector_store %arg11[%swap3A, %swap3A_109], %sub3A_108 {strides = array<i32>} : memref<2048x2xf32, #tpu.memory_space<vmem>>, vector<2048x2xf32>,
    return
  }
  func.func @transform_0(%arg0: i32) -> (i32, i32) {
    %c0_i32 = arith.constant 0 : i32
    %c0_i32_0 = arith.constant 0 : i32
    return %arg0, %c0_i32 : i32, i32
  }
  func.func @transform_1(%arg0: i32) -> (i32, i32) {
    %c0_i32 = arith.constant 0 : i32
    %c0_i32_0 = arith.constant 0 : i32
    return %arg0, %c0_i32 : i32, i32
  }
  func.func @transform_2(%arg0: i32) -> (i32, i32) {
    %c0_i32 = arith.constant 0 : i32
    %c0_i32_0 = arith.constant 0 : i32
    %c0_i32_1 = arith.constant 0 : i32
    return %c0_i32, %c0_i32_0 : i32, i32
  }
  func.func @transform_3(%arg0: i32) -> (i32, i32) {
    %c0_i32 = arith.constant 0 : i32
    %c0_i32_0 = arith.constant 0 : i32
    %c0_i32_1 = arith.constant 0 : i32
    return %c0_i32, %c0_i32_0 : i32, i32
  }
  func.func @transform_4(%arg0: i32) -> (i32, i32) {
    %c0_i32 = arith.constant 0 : i32
    %c0_i32_0 = arith.constant 0 : i32
    %c0_i32_1 = arith.constant 0 : i32
    return %c0_i32, %c0_i32_0 : i32, i32
  }
  func.func @transform_5(%arg0: i32) -> (i32, i32) {
    %c0_i32 = arith.constant 0 : i32
    %c0_i32_0 = arith.constant 0 : i32
    %c0_i32_1 = arith.constant 0 : i32
    return %c0_i32, %c0_i32_0 : i32, i32
  }
  func.func @transform_6(%arg0: i32) -> (i32, i32) {
    %c0_i32 = arith.constant 0 : i32
    %c0_i32_0 = arith.constant 0 : i32
    %c0_i32_1 = arith.constant 0 : i32
    return %c0_i32, %c0_i32_0 : i32, i32
  }
  func.func @transform_7(%arg0: i32) -> (i32, i32) {
    %c0_i32 = arith.constant 0 : i32
    %c0_i32_0 = arith.constant 0 : i32
    %c0_i32_1 = arith.constant 0 : i32
    return %c0_i32, %c0_i32_0 : i32, i32
  }
  func.func @transform_8(%arg0: i32) -> (i32, i32) {
    %c0_i32 = arith.constant 0 : i32
    %c0_i32_0 = arith.constant 0 : i32
    %c0_i32_1 = arith.constant 0 : i32
    return %c0_i32, %c0_i32_0 : i32, i32
  }
  func.func @transform_9(%arg0: i32) -> (i32, i32) {
    %c0_i32 = arith.constant 0 : i32
    %c0_i32_0 = arith.constant 0 : i32
    %c0_i32_1 = arith.constant 0 : i32
    return %c0_i32, %c0_i32_0 : i32, i32
  }
  func.func @transform_10(%arg0: i32) -> (i32, i32) {
    %c0_i32 = arith.constant 0 : i32
    %c0_i32_0 = arith.constant 0 : i32
    return %arg0, %c0_i32 : i32, i32
  }
}

</mosaic_0001>

<sc_bundles>
// kernel: kernel.6.cloned.1.call-start
scs
__scs_entry_jumppad:
0x0: {  	(pc) =	sbr.rel $0x88, $3  }
0x1: {  	(tag) =	ssettag $0x0;
	lr =	simm.s32 $0x1  }
0x2: {  	[smem:$0x3F96] =	sst lr;
	_ =	strace $0xD0000000  }
0x3: {  	_ = 	snop  }
0x4: {  	_ = 	snop  }
0x5: {  	_ = 	snop  }
0x6: {  	_ = 	snop  }
0x7: {  	_ = 	snop  }
__scs_overlays_trampoline_lowered:
0x8: {  	[smem:$0x3FA5] =	sst s0  }
0x9: {  	[smem:$0x3FA6] =	sst s1  }
0xa: {  	[smem:$0x3FA7] =	sst s2  }
0xb: {  	[smem:$0x3FA8] =	sst s3  }
0xc: {  	[smem:$0x3FA9] =	sst s4  }
0xd: {  	[smem:$0x3FAA] =	sst s5  }
0xe: {  	[smem:$0x3FAB] =	sst s6  }
0xf: {  	[smem:$0x3FAC] =	sst s7  }
0x10: {  	[smem:$0x3FAD] =	sst s8  }
0x11: {  	[smem:$0x3FAE] =	sst s9;
	s0 =	simm.s32 @!p0 $0x0  }
0x12: {  	s1 =	sld [smem:$0x3F94];
	s0 =	simm.s32 @p0 $0x1  }
0x13: {  	[smem:$0x3FAF] =	sst s0;
	s0 =	simm.s32 @!p1 $0x0  }
0x14: {  	s2 =	sld [smem:$0x3F93];
	s0 =	simm.s32 @p1 $0x1  }
0x15: {  	[smem:$0x3FB0] =	sst s0;
	s0 =	simm.s32 @!p2 $0x0  }
0x16: {  	s3 =	sld [smem:$0x3FDB];
	s0 =	simm.s32 @p2 $0x1  }
0x17: {  	s4 =	simm.s32 $0x1BF5;
	[smem:$0x3FB2] =	sst s0  }
0x18: {  	s0 =	sld [smem:$0x3F95];
	_ =	swait.ge [sflag:s4], $0x0  }
0x19: {  	s7 =	sld [smem:$0x3F96]  }
0x1a: {  	s8 =	sadd.s32 $0xFFFFE003, lr  }
0x1b: {  	s9 =	sadd.s32 $0xFFFFFEF7, lr;
	s5 =	simm.s32 $0xFFFFFFFF;
	p2 =	slt.u32 s8, $0xFFFFF086  }
0x1c: {  	p1 =	slt.u32 s9, $0xF7A;
	s5 =	simm.s32 @!p2 $0x0  }
0x1d: {  	s5 =	simm.s32 @p1 $0x1;
	p0 =	seq.s32 s7, s2  }
0x1e: {  	s7 =	smul.u32 @!p0 $0xF7A, s2;
	p2 =	seq.s32 @!p0 s5, $0x0  }
0x1f: {  	s9 =	smul.u32 $0xF7A, s1;
	s8 =	simm.s32 @!p0 $0x1BF5;
	p2 =	por !p2, p0  }
0x20: {  	[sflag:s8] =	ssyncset.s32 @!p0 $0xFFFFF086;
	s6 =	sadd.s32 @!p0 s3, s7;
	s7 =	simm.s32 @!p0 $0x108  }
0x21: {  	s3 =	sadd.s32 s3, s9;
	s6 =	sadd.s32 @!p0 $0x88, s6;
	s7 =	simm.s32 @p2 $0x1082  }
0x22: {  	[simem:s7], [sflag:s8] =	dma.local @!p0 [hbm:s6], $0xF7A  }
0x23: {  	s9 =	sor.u32 $0xD0000000, s2;
	s6 =	simm.s32 $0x108;
	_ =	swait.ge @!p0 [sflag:s8], $0x0  }
0x24: {  	s3 =	sadd.s32 $0x88, s3;
	s6 =	simm.s32 @!p1 $0x1082;
	[sflag:s4] =	ssyncset.s32 $0xFFFFF086  }
0x25: {  	[simem:s6], [sflag:s4] =	dma.local [hbm:s3], $0xF7A  }
0x26: {  	[smem:$0x3F96] =	sst s1;
	(tag) =	ssettag s2;
	_ =	strace s9  }
0x27: {  	s1 =	sld [smem:$0x3FA6]  }
0x28: {  	s2 =	sld [smem:$0x3FA7]  }
0x29: {  	s4 =	sld [smem:$0x3FA9]  }
0x2a: {  	p0 =	seq.s32 s5, $0x0;
	s5 =	sld [smem:$0x3FAA]  }
0x2b: {  	s6 =	sld [smem:$0x3FAB]  }
0x2c: {  	s7 =	sld [smem:$0x3FAC]  }
0x2d: {  	s3 =	simm.s32 $0x108;
	s8 =	sld [smem:$0x3FAD]  }
0x2e: {  	s3 =	simm.s32 @!p0 $0x1082;
	s9 =	sld [smem:$0x3FAE]  }
0x2f: {  	lr =	sadd.s32 s0, s3;
	s0 =	sld [smem:$0x3FA5]  }
0x30: {  	s3 =	sld [smem:$0x3FA8]  }
0x31: {  	[smem:$0x3FB1] =	sst s10  }
0x32: {  	s10 =	sld [smem:$0x3FAF];
	_ =	sdelay $0x3  }
0x33: {  	p0 =	seq.s32 s10, $0x1;
	s10 =	sld [smem:$0x3FB1];
	_ =	sdelay $0x3  }
0x34: {  	[smem:$0x3FB1] =	sst s10  }
0x35: {  	s10 =	sld [smem:$0x3FB0];
	_ =	sdelay $0x3  }
0x36: {  	p1 =	seq.s32 s10, $0x1;
	s10 =	sld [smem:$0x3FB1];
	_ =	sdelay $0x3  }
0x37: {  	[smem:$0x3FB1] =	sst s10  }
0x38: {  	s10 =	sld [smem:$0x3FB2]  }
0x39: {  	_ = 	snop;
	(pc) =	sbr.ind lr, $3  }
0x3a: {  	_ = 	snop  }
0x3b: {  	_ = 	snop  }
0x3c: {  	p2 =	seq.s32 s10, $0x1;
	s10 =	sld [smem:$0x3FB1]  }
0x3d: {  	_ =	shalt  }
0x3e: {  	_ =	shalt  }
0x3f: {  	_ =	shalt  }
0x40: {  	_ =	shalt  }
0x41: {  	_ =	shalt  }
0x42: {  	_ =	shalt  }
0x43: {  	_ =	shalt  }
0x44: {  	_ =	shalt  }
0x45: {  	_ =	shalt  }
0x46: {  	_ =	shalt  }
0x47: {  	_ =	shalt  }
0x48: {  	_ =	shalt  }
0x49: {  	_ =	shalt  }
0x4a: {  	_ =	shalt  }
0x4b: {  	_ =	shalt  }
0x4c: {  	_ =	shalt  }
0x4d: {  	_ =	shalt  }
0x4e: {  	_ =	shalt  }
0x4f: {  	_ =	shalt  }
0x50: {  	_ =	shalt  }
0x51: {  	_ =	shalt  }
0x52: {  	_ =	shalt  }
0x53: {  	_ =	shalt  }
0x54: {  	_ =	shalt  }
0x55: {  	_ =	shalt  }
0x56: {  	_ =	shalt  }
0x57: {  	_ =	shalt  }
0x58: {  	_ =	shalt  }
0x59: {  	_ =	shalt  }
0x5a: {  	_ =	shalt  }
0x5b: {  	_ =	shalt  }
0x5c: {  	_ =	shalt  }
0x5d: {  	_ =	shalt  }
0x5e: {  	_ =	shalt  }
0x5f: {  	_ =	shalt  }
0x60: {  	_ =	shalt  }
0x61: {  	_ =	shalt  }
0x62: {  	_ =	shalt  }
0x63: {  	_ =	shalt  }
0x64: {  	_ =	shalt  }
0x65: {  	_ =	shalt  }
0x66: {  	_ =	shalt  }
0x67: {  	_ =	shalt  }
0x68: {  	_ =	shalt  }
0x69: {  	_ =	shalt  }
0x6a: {  	_ =	shalt  }
0x6b: {  	_ =	shalt  }
0x6c: {  	_ =	shalt  }
0x6d: {  	_ =	shalt  }
0x6e: {  	_ =	shalt  }
0x6f: {  	_ =	shalt  }
0x70: {  	_ =	shalt  }
0x71: {  	_ =	shalt  }
0x72: {  	_ =	shalt  }
0x73: {  	_ =	shalt  }
0x74: {  	_ =	shalt  }
0x75: {  	_ =	shalt  }
0x76: {  	_ =	shalt  }
0x77: {  	_ =	shalt  }
0x78: {  	_ =	shalt  }
0x79: {  	_ =	shalt  }
0x7a: {  	_ =	shalt  }
0x7b: {  	_ =	shalt  }
0x7c: {  	_ =	shalt  }
0x7d: {  	_ =	shalt  }
0x7e: {  	_ =	shalt  }
0x7f: {  	_ =	shalt  }
0x80: {  	_ =	shalt  }
0x81: {  	_ =	shalt  }
0x82: {  	_ =	shalt  }
0x83: {  	_ =	shalt  }
0x84: {  	_ =	shalt  }
0x85: {  	_ =	shalt  }
0x86: {  	_ =	shalt  }
0x87: {  	_ =	shalt  }
.Lfunc_end0:
.L_simem_size_0:
called_computation_lowered:
.L_overlay_start_0:
0x88: {  	s2 =	sld [smem:$0x3FD9]  }
0x89: {  	s3 =	sld [smem:$0x3FFE];
	_ =	sdelay $0x1  }
0x8a: {  	s1 =	srdreg.scid  }
0x8b: {  	s0 =	sand.u32 $0x1, s1  }
0x8c: {  	s17 =	sshll.u32 s0, $0xA;
	s2 =	sadd.s32 s3, s2  }
0x8d: {  	s2 =	sadd.s32 s2, s17  }
0x8e: {  	[smem:$0x3FBD] =	sst s2  }
0x8f: {  	_ = 	snop  }
0x90: {  	s2 =	sld [smem:$0x3FC8];
	(tm) =	ssettm $0x1  }
0x91: {  	s18 =	sld [smem:$0x3FFB];
	_ =	sdelay $0x3  }
0x92: {  	_ =	strace s18  }
0x93: {  	s3 =	sld [smem:$0x3FFC];
	_ =	sdelay $0x3  }
0x94: {  	_ =	strace s3  }
0x95: {  	s3 =	sld [smem:$0x3FFD];
	_ =	sdelay $0x3  }
0x96: {  	_ =	strace s3  }
0x97: {  	_ =	strace $0x8FFFFFFF  }
0x98: {  	s19 =	sld [smem:$0x3FDB];
	_ =	sdelay $0x1  }
0x99: {  	s4 =	simm.s32 $_scs_section_size  }
0x9a: {  	s5 =	simm.s32 $_size__tile_overlayer_lowered;
	s6 =	simm.s32 $_tile_overlayer_lowered  }
0x9b: {  	s22 =	simm.s32 $0x1BFF;
	s21 =	sshll.u32 s6, $0x1;
	s3 =	sadd.s32 s4, s19  }
0x9c: {  	s7 =	simm.s32 $0x0;
	s20 =	sshll.u32 s5, $0x1;
	s5 =	sadd.s32 s21, s3  }
0x9d: {  	[timem:s7], [sflag:s22] =	dma.local [hbm:s5], s20  }
0x9e: {  	_ =	swait.ge [sflag:s22], s20  }
0x9f: {  	s4 =	ssub.s32 $0x0, s20;
	[sflag:s22] =	ssyncset.done $0x0  }
0xa0: {  	[sflag:s22] =	ssyncadd.s32 s4;
	_ =	sdelay $0x1  }
0xa1: {  	s23 =	simm.s32 $0x1B8B  }
0xa2: {  	_ =	swait.ge [sflag:s23], $0x1  }
0xa3: {  	[sflag:s23] =	ssyncset.done $0x0  }
0xa4: {  	s25 =	simm.s32 $0x1B8E;
	s24 =	sld [smem:$0x3FFE];
	[sflag:s23] =	ssyncadd.s32 $0xFFFFFFFF  }
0xa5: {  	s26 =	simm.s32 $execute0_lowered;
	[smem:$0x3FD2] =	sst s25  }
0xa6: {  	s5 =	sshll.u32 s26, $0x1;
	_ =	strace $0x80000046;
	[dreg:$0x1] =	wrdreg $0xFFFFFFFF  }
0xa7: {  	s28 =	simm.s32 $_size_execute0_lowered;
	s3 =	sadd.s32 s3, s5;
	[dreg:$0x0] =	wrdreg $0x0  }
0xa8: {  	s5 =	sshll.u32 s28, $0x1;
	[dreg:$0x2] =	wrdreg s3  }
0xa9: {  	[dreg:$0x3] =	wrdreg s5  }
0xaa: {  	[dreg:$0x4] =	wrdreg $0xC0  }
0xab: {  	_ =	task [dreg:s7], $0x5FFFF  }
0xac: {  	[dreg:$0x1] =	wrdreg $0xFFFFFFFF  }
0xad: {  	[dreg:$0x0] =	wrdreg $0x60  }
0xae: {  	[dreg:$0x2] =	wrdreg s2  }
0xaf: {  	[dreg:$0x3] =	wrdreg s24  }
0xb0: {  	[dreg:$0x4] =	wrdreg $0x8FA00  }
0xb1: {  	[dreg:$0x5] =	wrdreg $0x1CBA00  }
0xb2: {  	[dreg:$0x6] =	wrdreg $0x9  }
0xb3: {  	_ =	task.clear_ibuf [dreg:s7], $0x7FFFF;
	_ =	strace $0x90000046  }
0xb4: {  	s29 =	simm.s32 $0x9;
	_ =	strace $0x80000048  }
0xb5: {  	_ =	swait.ge [sflag:s29], $0x1  }
0xb6: {  	[sflag:s29] =	ssyncadd.s32 $0xFFFFFFFF  }
0xb7: {  	_ =	strace $0x90000048  }
0xb8: {  	_ =	sfence  }
0xb9: {  	s30 =	sld [smem:$0x0];
	_ =	sdelay $0x2  }
0xba: {  	s31 =	sshll.u32 s1, $0xD;
	s1 =	sshrl.u32 s1, $0x2  }
0xbb: {  	s3 =	sand.u32 $0x4000, s31;
	s1 =	sadd.s32 s1, s30  }
0xbc: {  	s0 =	sor.u32 s3, s0;
	s1 =	sshll.u32 s1, $0x11  }
0xbd: {  	s0 =	sor.u32 s1, s0  }
0xbe: {  	s0 =	sadd.s32 $0x8F2B, s0  }
0xbf: {  	[sflag:s0] =	ssyncadd.remote.s32 $0x1  }
0xc0: {  	_ =	sfence.sel $0xFFFF  }
0xc1: {  	[dreg:$0x0] =	wrdreg $0xFFFFFFFF;
	(pc) =	sbr.abs _section_cstart, $3  }
0xc2: {  	[dreg:$0x1] =	wrdreg $0xFFFFFFFF  }
0xc3: {  	_ =	task.clear_ibuf [dreg:s7], $0x2FFFF;
	_ =	strace $0x9FFFFFFF  }
0xc4: {  	(tm) =	ssettm $0x7FFFFFFF  }
0xc5: {  	_ =	shalt  }
tec
execute0_lowered:
.L_overlay_start_1:
0x0: {  	(tag) =	ssettag $0x1  }
0x1: {  	s1 =	rddreg [dreg:$0x0]  }
0x2: {  	s10 =	rddreg [dreg:$0x1]  }
0x3: {  	s2 =	srdreg.scid;
	s3 =	rddreg [dreg:$0x2]  }
0x4: {  	s0 =	stileid.u32;
	s4 =	rddreg [dreg:$0x3];
	s5 =	simm.s32 $0x0  }
0x5: {  	s19 =	simm.s32 $0x2880;
	s20 =	simm.s32 $0x29A0;
	s21 =	simm.s32 $0x28E0  }
0x6: {  	s22 =	simm.s32 $0x59A0;
	s23 =	simm.s32 $0x1;
	s24 =	simm.s32 $0x2940  }
0x7: {  	s25 =	simm.s32 $0x0;
	s9 =	sand.u32 $0x1, s2;
	s11 =	smul.u32 $0x13C00, s0  }
0x8: {  	s29 =	sshll.u32 s0, $0x1;
	[smem:$0x7FF] =	sst s5;
	s13 =	smul.u32 $0x2780, s0  }
0x9: {  	s7 =	sadd.s32 $0xEA00, s10;
	s8 =	sadd.s32 $0xC000, s10;
	s12 =	smul.u32 $0x13C000, s9  }
0xa: {  	s31 =	sshll.u32 s0, $0x6;
	s2 =	sor.u32 s9, s29;
	s14 =	smul.u32 $0x27800, s9  }
0xb: {  	s9 =	ssub.s32 $0x2, s9;
	s6 =	smul.u32 $0x510, s2;
	s2 =	rddreg [dreg:$0x4]  }
0xc: {  	_ =	strace $0x80000047;
	s30 =	sshrl.u32 s9, $0x1;
	s17 =	sadd.s32 s11, s3  }
0xd: {  	s18 =	sadd.s32 s13, s4;
	s12 =	sadd.s32 s11, s12;
	s14 =	sadd.s32 s13, s14  }
0xe: {  	s16 =	ssub.s32 s9, s30;
	s9 =	sor.u32 $0x1C02, s31;
	s15 =	sadd.s32 s6, s10  }
.Ltmp0:
0xf: {  	s6 =	sadd.s32 $0xC200, s10;
	s12 =	sshrl.u32 s12, $0x3;
	(pc) =	sbr.rel .LBB2_1-.Ltmp0, $4  }
0x10: {  	s14 =	sshrl.u32 s14, $0x3;
	s13 =	smax.u32 s16, $0x1;
	s16 =	sshrl.u32 s18, $0x3  }
0x11: {  	s18 =	simm.s32 $0x60;
	s12 =	sadd.s32 s12, s10;
	s14 =	sadd.s32 s14, s10  }
0x12: {  	s10 =	sadd.s32 $0x1E00, s15;
	s15 =	simm.s32 $0x2;
	s11 =	sadd.s32 $0x18E00, s12  }
0x13: {  	s12 =	sadd.s32 $0xF000, s14;
	s14 =	sshrl.u32 s17, $0x3;
	s17 =	simm.s32 $0x89A0  }
.LBB2_4:
0x14: {  	[bflag:$0x0] =	sbarrier.arrive $0xFFFF  }
0x15: {  	[hbm:s11], [sflag:s9] =	dma.local [spmem:s14], $0x2780  }
0x16: {  	s25 =	sadd.s32 $0x1, s25;
	_ =	swait.ge [sflag:s15], $0x2780  }
0x17: {  	p0 =	sne.s32 s25, s13;
	[sflag:s15] =	ssyncset.done $0x0  }
.Ltmp1:
0x18: {  	[sflag:s15] =	ssyncadd.s32 $0xFFFFD880;
	(pc) =	sbr.rel @!p0 .LBB2_5-.Ltmp1, $4  }
0x19: {  	[hbm:s12], [sflag:s9] =	dma.local [spmem:s16], $0x4F0  }
0x1a: {  	_ =	swait.ge [sflag:s15], $0x4F0  }
0x1b: {  	[sflag:s15] =	ssyncset.done $0x0  }
0x1c: {  	[sflag:s15] =	ssyncadd.s32 $0xFFFFFB10  }
.LBB2_1:
0x1d: {  	[spmem:s14], [sflag:s9] =	dma.local [hbm:s6], $0x2780  }
0x1e: {  	_ =	swait.ge [sflag:s15], $0x2780  }
0x1f: {  	[sflag:s15] =	ssyncset.done $0x0  }
0x20: {  	[sflag:s15] =	ssyncadd.s32 $0xFFFFD880  }
0x21: {  	[spmem:s16], [sflag:s9] =	dma.local [hbm:s7], $0x4F0  }
0x22: {  	_ =	swait.ge [sflag:s15], $0x4F0  }
0x23: {  	[sflag:s15] =	ssyncset.done $0x0  }
0x24: {  	[sflag:s15] =	ssyncadd.s32 $0xFFFFFB10  }
0x25: {  	[tilespmem:s5], [sflag:$0x2] =	stream.linear.gather [hbm4b:s10+s5], $0x2880, $0x38;
	[tilespmem:$0x1F320] =	vst v63  }
0x26: {  	_ =	swait.ge [sflag:s15], $0x2880  }
0x27: {  	[sflag:s15] =	ssyncset.done $0x0  }
0x28: {  	[sflag:s15] =	ssyncadd.s32 $0xFFFFD780  }
0x29: {  	[tilespmem:s17], [sflag:$0x2] =	stream.linear.gather [hbm4b:s8+s5], $0x600, $0x38;
	[tilespmem:$0x1F320] =	vst v63  }
0x2a: {  	_ =	swait.ge [sflag:s15], $0x600  }
0x2b: {  	[sflag:s15] =	ssyncset.done $0x0  }
0x2c: {  	[sflag:s15] =	ssyncadd.s32 $0xFFFFFA00  }
0x2d: {  	[bflag:$0x0] =	sbarrier.arrive $0xFFFF  }
0x2e: {  	v0 =	vld [tilespmem:$0x0]  }
0x2f: {  	v1 =	vld [tilespmem:$0x10]  }
0x30: {  	v2 =	vld [tilespmem:$0x20]  }
0x31: {  	v3 =	vld [tilespmem:$0x30]  }
0x32: {  	v4 =	vld [tilespmem:$0x40]  }
0x33: {  	v5 =	vld [tilespmem:$0x50];
	v0 =	vand.u32 $0x3FFF, v0  }
0x34: {  	v48 =	vand.u32 $0x3FFF, v1;
	[tilespmem:$0x2880] =	vst v0  }
0x35: {  	v49 =	vand.u32 $0x3FFF, v2;
	[tilespmem:$0x2890] =	vst v48  }
0x36: {  	v50 =	vand.u32 $0x3FFF, v3;
	[tilespmem:$0x28A0] =	vst v49  }
0x37: {  	v51 =	vand.u32 $0x3FFF, v4;
	[tilespmem:$0x28B0] =	vst v50  }
0x38: {  	v52 =	vand.u32 $0x3FFF, v5;
	[tilespmem:$0x28C0] =	vst v51  }
0x39: {  	[tilespmem:$0x28D0] =	vst v52  }
0x3a: {  	[tilespmem:s20], [sflag:$0x1] =	stream.indirect.gather [hbm4b:s1+s18], $0x80, s19, s18, $0xb8;
	[tilespmem:$0x1F320] =	vst v63  }
0x3b: {  	v53 =	vld [tilespmem:$0x60]  }
0x3c: {  	v54 =	vld [tilespmem:$0x70]  }
0x3d: {  	v55 =	vld [tilespmem:$0x80]  }
0x3e: {  	v56 =	vld [tilespmem:$0x90]  }
0x3f: {  	v57 =	vld [tilespmem:$0xA0]  }
0x40: {  	v58 =	vld [tilespmem:$0xB0];
	v0 =	vand.u32 $0x3FFF, v53  }
0x41: {  	v59 =	vand.u32 $0x3FFF, v54;
	[tilespmem:$0x28E0] =	vst v0  }
0x42: {  	v60 =	vand.u32 $0x3FFF, v55;
	[tilespmem:$0x28F0] =	vst v59  }
0x43: {  	v61 =	vand.u32 $0x3FFF, v56;
	[tilespmem:$0x2900] =	vst v60  }
0x44: {  	v62 =	vand.u32 $0x3FFF, v57;
	[tilespmem:$0x2910] =	vst v61  }
0x45: {  	v63 =	vand.u32 $0x3FFF, v58;
	[tilespmem:$0x2920] =	vst v62  }
0x46: {  	s26 =	simm.s32 $0x0;
	[tilespmem:$0x2930] =	vst v63  }
0x47: {  	[tilespmem:s22], [sflag:$0x1] =	stream.indirect.gather [hbm4b:s1+s18], $0x80, s21, s18, $0xb8;
	[tilespmem:$0x1F320] =	vst v63  }
.LBB2_2:
0x48: {  	_ =	swait.ge [sflag:s23], $0x3000  }
0x49: {  	[sflag:s23] =	ssyncset.done $0x0  }
0x4a: {  	s28 =	sshra.s32 s26, $0x2;
	[sflag:s23] =	ssyncadd.s32 $0xFFFFD000  }
0x4b: {  	v0 =	vld [tilespmem:s28+$0x0];
	_ =	sdelay $0x4  }
0x4c: {  	v0 =	vshra.s32 v0, $0xE  }
0x4d: {  	[tilespmem:$0x2940] =	vst v0  }
0x4e: {  	v0 =	vld [tilespmem:s28+$0x10];
	_ =	sdelay $0x4  }
0x4f: {  	v0 =	vshra.s32 v0, $0xE  }
0x50: {  	[tilespmem:$0x2950] =	vst v0  }
0x51: {  	v0 =	vld [tilespmem:s28+$0x20];
	_ =	sdelay $0x4  }
0x52: {  	v0 =	vshra.s32 v0, $0xE  }
0x53: {  	[tilespmem:$0x2960] =	vst v0  }
0x54: {  	v0 =	vld [tilespmem:s28+$0x30];
	_ =	sdelay $0x4  }
0x55: {  	v0 =	vshra.s32 v0, $0xE  }
0x56: {  	[tilespmem:$0x2970] =	vst v0  }
0x57: {  	v0 =	vld [tilespmem:s28+$0x40];
	_ =	sdelay $0x4  }
0x58: {  	v0 =	vshra.s32 v0, $0xE  }
0x59: {  	[tilespmem:$0x2980] =	vst v0  }
0x5a: {  	v0 =	vld [tilespmem:s28+$0x50];
	_ =	sdelay $0x4  }
0x5b: {  	v0 =	vshra.s32 v0, $0xE  }
0x5c: {  	[tilespmem:$0x2990] =	vst v0  }
0x5d: {  	[spmem:s3] =	stream.indirect.scatter.add.f32 [tilespmem:s20], [sflag:$0x2], $0x80, s24, s18, $0xb8;
	[tilespmem:$0x1F320] =	vst v63  }
0x5e: {  	_ =	swait.ge [sflag:s15], $0x3000  }
0x5f: {  	[sflag:s15] =	ssyncset.done $0x0  }
0x60: {  	[sflag:s15] =	ssyncadd.s32 $0xFFFFD000  }
0x61: {  	[spmem:s4] =	stream.indirect.scatter.add.f32 [tilespmem:s17], [sflag:$0x2], $0x10, s24, s18, $0xb8;
	[tilespmem:$0x1F320] =	vst v63  }
0x62: {  	_ =	swait.ge [sflag:s15], $0x600  }
0x63: {  	p0 =	seq.s32 s26, $0x9F00;
	[sflag:s15] =	ssyncset.done $0x0  }
0x64: {  	s29 =	sshra.s32 @!p0 s26, $0x2;
	[sflag:s15] =	ssyncadd.s32 $0xFFFFFA00  }
0x65: {  	v0 =	vld @!p0 [tilespmem:s29+$0xC0];
	_ =	sdelay $0x4  }
0x66: {  	v0 =	vand.u32 @!p0 $0x3FFF, v0  }
0x67: {  	[tilespmem:$0x2880] =	vst @!p0 v0  }
0x68: {  	v0 =	vld @!p0 [tilespmem:s29+$0xD0];
	_ =	sdelay $0x4  }
0x69: {  	v0 =	vand.u32 @!p0 $0x3FFF, v0  }
0x6a: {  	[tilespmem:$0x2890] =	vst @!p0 v0  }
0x6b: {  	v0 =	vld @!p0 [tilespmem:s29+$0xE0];
	_ =	sdelay $0x4  }
0x6c: {  	v0 =	vand.u32 @!p0 $0x3FFF, v0  }
0x6d: {  	[tilespmem:$0x28A0] =	vst @!p0 v0  }
0x6e: {  	v0 =	vld @!p0 [tilespmem:s29+$0xF0];
	_ =	sdelay $0x4  }
0x6f: {  	v0 =	vand.u32 @!p0 $0x3FFF, v0  }
0x70: {  	[tilespmem:$0x28B0] =	vst @!p0 v0  }
0x71: {  	v0 =	vld @!p0 [tilespmem:s29+$0x100];
	_ =	sdelay $0x4  }
0x72: {  	v0 =	vand.u32 @!p0 $0x3FFF, v0  }
0x73: {  	[tilespmem:$0x28C0] =	vst @!p0 v0  }
0x74: {  	v0 =	vld @!p0 [tilespmem:s29+$0x110];
	_ =	sdelay $0x4  }
0x75: {  	v0 =	vand.u32 @!p0 $0x3FFF, v0  }
0x76: {  	s30 =	simm.s32 @!p0 $0x2880;
	s31 =	simm.s32 @!p0 $0x29A0;
	s29 =	simm.s32 @!p0 $0x60;
	[tilespmem:$0x28D0] =	vst @!p0 v0  }
0x77: {  	[tilespmem:s31], [sflag:$0x1] =	stream.indirect.gather @!p0 [hbm4b:s1+s29], $0x80, s30, s29, $0xb8;
	[tilespmem:$0x1F320] =	vst v63  }
0x78: {  	_ =	swait.ge [sflag:s23], $0x3000  }
0x79: {  	[sflag:s23] =	ssyncset.done $0x0  }
0x7a: {  	[sflag:s23] =	ssyncadd.s32 $0xFFFFD000  }
0x7b: {  	v63 =	vld [tilespmem:s28+$0x60];
	_ =	sdelay $0x4  }
0x7c: {  	v0 =	vshra.s32 v63, $0xE  }
0x7d: {  	[tilespmem:$0x2940] =	vst v0  }
0x7e: {  	v0 =	vld [tilespmem:s28+$0x70];
	_ =	sdelay $0x4  }
0x7f: {  	v0 =	vshra.s32 v0, $0xE  }
0x80: {  	[tilespmem:$0x2950] =	vst v0  }
0x81: {  	v0 =	vld [tilespmem:s28+$0x80];
	_ =	sdelay $0x4  }
0x82: {  	v0 =	vshra.s32 v0, $0xE  }
0x83: {  	[tilespmem:$0x2960] =	vst v0  }
0x84: {  	v0 =	vld [tilespmem:s28+$0x90];
	_ =	sdelay $0x4  }
0x85: {  	v0 =	vshra.s32 v0, $0xE  }
0x86: {  	[tilespmem:$0x2970] =	vst v0  }
0x87: {  	v0 =	vld [tilespmem:s28+$0xA0];
	_ =	sdelay $0x4  }
0x88: {  	v0 =	vshra.s32 v0, $0xE  }
0x89: {  	[tilespmem:$0x2980] =	vst v0  }
0x8a: {  	v0 =	vld [tilespmem:s28+$0xB0];
	_ =	sdelay $0x4  }
0x8b: {  	v0 =	vshra.s32 v0, $0xE  }
0x8c: {  	[tilespmem:$0x2990] =	vst v0  }
0x8d: {  	[spmem:s3] =	stream.indirect.scatter.add.f32 [tilespmem:s22], [sflag:$0x2], $0x80, s24, s18, $0xb8;
	[tilespmem:$0x1F320] =	vst v63  }
0x8e: {  	_ =	swait.ge [sflag:s15], $0x3000  }
0x8f: {  	[sflag:s15] =	ssyncset.done $0x0  }
.Ltmp2:
0x90: {  	[sflag:s15] =	ssyncadd.s32 $0xFFFFD000;
	(pc) =	sbr.rel @p0 .LBB2_4-.Ltmp2, $4  }
0x91: {  	[spmem:s4] =	stream.indirect.scatter.add.f32 [tilespmem:s17], [sflag:$0x2], $0x10, s24, s18, $0xb8;
	[tilespmem:$0x1F320] =	vst v63  }
0x92: {  	_ =	swait.ge [sflag:s15], $0x600  }
0x93: {  	[sflag:s15] =	ssyncset.done $0x0  }
0x94: {  	[sflag:s15] =	ssyncadd.s32 $0xFFFFFA00  }
0x95: {  	v0 =	vld [tilespmem:s28+$0x120];
	_ =	sdelay $0x4  }
0x96: {  	v0 =	vand.u32 $0x3FFF, v0  }
0x97: {  	[tilespmem:$0x28E0] =	vst v0  }
0x98: {  	v0 =	vld [tilespmem:s28+$0x130];
	_ =	sdelay $0x4  }
0x99: {  	v0 =	vand.u32 $0x3FFF, v0  }
0x9a: {  	[tilespmem:$0x28F0] =	vst v0  }
0x9b: {  	v0 =	vld [tilespmem:s28+$0x140];
	_ =	sdelay $0x4  }
0x9c: {  	v0 =	vand.u32 $0x3FFF, v0  }
0x9d: {  	[tilespmem:$0x2900] =	vst v0  }
0x9e: {  	v0 =	vld [tilespmem:s28+$0x150];
	_ =	sdelay $0x4  }
0x9f: {  	v0 =	vand.u32 $0x3FFF, v0  }
0xa0: {  	[tilespmem:$0x2910] =	vst v0  }
0xa1: {  	v0 =	vld [tilespmem:s28+$0x160];
	_ =	sdelay $0x4  }
0xa2: {  	v0 =	vand.u32 $0x3FFF, v0  }
0xa3: {  	[tilespmem:$0x2920] =	vst v0  }
0xa4: {  	v0 =	vld [tilespmem:s28+$0x170];
	_ =	sdelay $0x2  }
.Ltmp3:
0xa5: {  	_ = 	snop;
	(pc) =	sbr.rel .LBB2_2-.Ltmp3, $4  }
0xa6: {  	_ = 	snop  }
0xa7: {  	v0 =	vand.u32 $0x3FFF, v0  }
0xa8: {  	s26 =	sadd.s32 $0x300, s26;
	[tilespmem:$0x2930] =	vst v0  }
0xa9: {  	[tilespmem:s22], [sflag:$0x1] =	stream.indirect.gather [hbm4b:s1+s18], $0x80, s21, s18, $0xb8;
	[tilespmem:$0x1F320] =	vst v63  }
.LBB2_5:
0xaa: {  	_ =	sfence.sel $0x180000  }
0xab: {  	[bflag:$0x0] =	sbarrier.arrive $0xFFFF  }
0xac: {  	p0 =	sne.s32 s0, $0x0;
	_ =	strace $0x90000047  }
0xad: {  	s0 =	sadd.s32 @!p0 $0x100000, s2;
	[bflag:$0x2] =	sbarrier.arrive $0xFFFF  }
0xae: {  	[sflag:s0] =	ssyncadd.tile.s32 @!p0 $0x1;
	_ =	shalt  }
.Lfunc_end2:
_tile_overlayer_lowered:
.L_overlay_start_2:
0xaf: {  	(tag) =	ssettag $0x2  }
0xb0: {  	s0 =	rddreg [dreg:$0x0];
	s2 =	stileid.u32  }
0xb1: {  	s1 =	rddreg [dreg:$0x1];
	p0 =	sne.s32 s2, $0x0  }
0xb2: {  	s3 =	rddreg [dreg:$0x2];
	[bflag:$0x3] =	sbarrier.arrive $0xFFFF;
	s2 =	simm.s32 @!p0 $0x1C02  }
0xb3: {  	[timem:s3], [sflag:s2] =	dma.local @!p0 [hbm:s0], s1  }
0xb4: {  	s0 =	simm.s32 @!p0 $0x2  }
0xb5: {  	_ =	swait.ge @!p0 [sflag:s0], s1  }
0xb6: {  	s1 =	ssub.s32 @!p0 $0x0, s1;
	[sflag:s0] =	ssyncset.done @!p0 $0x0  }
0xb7: {  	[sflag:s0] =	ssyncadd.s32 @!p0 s1  }
0xb8: {  	[bflag:$0x3] =	sbarrier.arrive $0xFFFF  }
0xb9: {  	_ =	shalt  }

// kernel: kernel.9.cloned.1.call-start
scs
__scs_entry_jumppad:
0x0: {  	(pc) =	sbr.rel $0x88, $3  }
0x1: {  	(tag) =	ssettag $0x0;
	lr =	simm.s32 $0x1  }
0x2: {  	[smem:$0x3F96] =	sst lr;
	_ =	strace $0xD0000000  }
0x3: {  	_ = 	snop  }
0x4: {  	_ = 	snop  }
0x5: {  	_ = 	snop  }
0x6: {  	_ = 	snop  }
0x7: {  	_ = 	snop  }
__scs_overlays_trampoline_lowered:
0x8: {  	[smem:$0x3FA5] =	sst s0  }
0x9: {  	[smem:$0x3FA6] =	sst s1  }
0xa: {  	[smem:$0x3FA7] =	sst s2  }
0xb: {  	[smem:$0x3FA8] =	sst s3  }
0xc: {  	[smem:$0x3FA9] =	sst s4  }
0xd: {  	[smem:$0x3FAA] =	sst s5  }
0xe: {  	[smem:$0x3FAB] =	sst s6  }
0xf: {  	[smem:$0x3FAC] =	sst s7  }
0x10: {  	[smem:$0x3FAD] =	sst s8  }
0x11: {  	[smem:$0x3FAE] =	sst s9;
	s0 =	simm.s32 @!p0 $0x0  }
0x12: {  	s1 =	sld [smem:$0x3F94];
	s0 =	simm.s32 @p0 $0x1  }
0x13: {  	[smem:$0x3FAF] =	sst s0;
	s0 =	simm.s32 @!p1 $0x0  }
0x14: {  	s2 =	sld [smem:$0x3F93];
	s0 =	simm.s32 @p1 $0x1  }
0x15: {  	[smem:$0x3FB0] =	sst s0;
	s0 =	simm.s32 @!p2 $0x0  }
0x16: {  	s3 =	sld [smem:$0x3FDB];
	s0 =	simm.s32 @p2 $0x1  }
0x17: {  	s4 =	simm.s32 $0x1BF5;
	[smem:$0x3FB2] =	sst s0  }
0x18: {  	s0 =	sld [smem:$0x3F95];
	_ =	swait.ge [sflag:s4], $0x0  }
0x19: {  	s7 =	sld [smem:$0x3F96]  }
0x1a: {  	s8 =	sadd.s32 $0xFFFFE003, lr  }
0x1b: {  	s9 =	sadd.s32 $0xFFFFFEF7, lr;
	s5 =	simm.s32 $0xFFFFFFFF;
	p2 =	slt.u32 s8, $0xFFFFF086  }
0x1c: {  	p1 =	slt.u32 s9, $0xF7A;
	s5 =	simm.s32 @!p2 $0x0  }
0x1d: {  	s5 =	simm.s32 @p1 $0x1;
	p0 =	seq.s32 s7, s2  }
0x1e: {  	s7 =	smul.u32 @!p0 $0xF7A, s2;
	p2 =	seq.s32 @!p0 s5, $0x0  }
0x1f: {  	s9 =	smul.u32 $0xF7A, s1;
	s8 =	simm.s32 @!p0 $0x1BF5;
	p2 =	por !p2, p0  }
0x20: {  	[sflag:s8] =	ssyncset.s32 @!p0 $0xFFFFF086;
	s6 =	sadd.s32 @!p0 s3, s7;
	s7 =	simm.s32 @!p0 $0x108  }
0x21: {  	s3 =	sadd.s32 s3, s9;
	s6 =	sadd.s32 @!p0 $0x88, s6;
	s7 =	simm.s32 @p2 $0x1082  }
0x22: {  	[simem:s7], [sflag:s8] =	dma.local @!p0 [hbm:s6], $0xF7A  }
0x23: {  	s9 =	sor.u32 $0xD0000000, s2;
	s6 =	simm.s32 $0x108;
	_ =	swait.ge @!p0 [sflag:s8], $0x0  }
0x24: {  	s3 =	sadd.s32 $0x88, s3;
	s6 =	simm.s32 @!p1 $0x1082;
	[sflag:s4] =	ssyncset.s32 $0xFFFFF086  }
0x25: {  	[simem:s6], [sflag:s4] =	dma.local [hbm:s3], $0xF7A  }
0x26: {  	[smem:$0x3F96] =	sst s1;
	(tag) =	ssettag s2;
	_ =	strace s9  }
0x27: {  	s1 =	sld [smem:$0x3FA6]  }
0x28: {  	s2 =	sld [smem:$0x3FA7]  }
0x29: {  	s4 =	sld [smem:$0x3FA9]  }
0x2a: {  	p0 =	seq.s32 s5, $0x0;
	s5 =	sld [smem:$0x3FAA]  }
0x2b: {  	s6 =	sld [smem:$0x3FAB]  }
0x2c: {  	s7 =	sld [smem:$0x3FAC]  }
0x2d: {  	s3 =	simm.s32 $0x108;
	s8 =	sld [smem:$0x3FAD]  }
0x2e: {  	s3 =	simm.s32 @!p0 $0x1082;
	s9 =	sld [smem:$0x3FAE]  }
0x2f: {  	lr =	sadd.s32 s0, s3;
	s0 =	sld [smem:$0x3FA5]  }
0x30: {  	s3 =	sld [smem:$0x3FA8]  }
0x31: {  	[smem:$0x3FB1] =	sst s10  }
0x32: {  	s10 =	sld [smem:$0x3FAF];
	_ =	sdelay $0x3  }
0x33: {  	p0 =	seq.s32 s10, $0x1;
	s10 =	sld [smem:$0x3FB1];
	_ =	sdelay $0x3  }
0x34: {  	[smem:$0x3FB1] =	sst s10  }
0x35: {  	s10 =	sld [smem:$0x3FB0];
	_ =	sdelay $0x3  }
0x36: {  	p1 =	seq.s32 s10, $0x1;
	s10 =	sld [smem:$0x3FB1];
	_ =	sdelay $0x3  }
0x37: {  	[smem:$0x3FB1] =	sst s10  }
0x38: {  	s10 =	sld [smem:$0x3FB2]  }
0x39: {  	_ = 	snop;
	(pc) =	sbr.ind lr, $3  }
0x3a: {  	_ = 	snop  }
0x3b: {  	_ = 	snop  }
0x3c: {  	p2 =	seq.s32 s10, $0x1;
	s10 =	sld [smem:$0x3FB1]  }
0x3d: {  	_ =	shalt  }
0x3e: {  	_ =	shalt  }
0x3f: {  	_ =	shalt  }
0x40: {  	_ =	shalt  }
0x41: {  	_ =	shalt  }
0x42: {  	_ =	shalt  }
0x43: {  	_ =	shalt  }
0x44: {  	_ =	shalt  }
0x45: {  	_ =	shalt  }
0x46: {  	_ =	shalt  }
0x47: {  	_ =	shalt  }
0x48: {  	_ =	shalt  }
0x49: {  	_ =	shalt  }
0x4a: {  	_ =	shalt  }
0x4b: {  	_ =	shalt  }
0x4c: {  	_ =	shalt  }
0x4d: {  	_ =	shalt  }
0x4e: {  	_ =	shalt  }
0x4f: {  	_ =	shalt  }
0x50: {  	_ =	shalt  }
0x51: {  	_ =	shalt  }
0x52: {  	_ =	shalt  }
0x53: {  	_ =	shalt  }
0x54: {  	_ =	shalt  }
0x55: {  	_ =	shalt  }
0x56: {  	_ =	shalt  }
0x57: {  	_ =	shalt  }
0x58: {  	_ =	shalt  }
0x59: {  	_ =	shalt  }
0x5a: {  	_ =	shalt  }
0x5b: {  	_ =	shalt  }
0x5c: {  	_ =	shalt  }
0x5d: {  	_ =	shalt  }
0x5e: {  	_ =	shalt  }
0x5f: {  	_ =	shalt  }
0x60: {  	_ =	shalt  }
0x61: {  	_ =	shalt  }
0x62: {  	_ =	shalt  }
0x63: {  	_ =	shalt  }
0x64: {  	_ =	shalt  }
0x65: {  	_ =	shalt  }
0x66: {  	_ =	shalt  }
0x67: {  	_ =	shalt  }
0x68: {  	_ =	shalt  }
0x69: {  	_ =	shalt  }
0x6a: {  	_ =	shalt  }
0x6b: {  	_ =	shalt  }
0x6c: {  	_ =	shalt  }
0x6d: {  	_ =	shalt  }
0x6e: {  	_ =	shalt  }
0x6f: {  	_ =	shalt  }
0x70: {  	_ =	shalt  }
0x71: {  	_ =	shalt  }
0x72: {  	_ =	shalt  }
0x73: {  	_ =	shalt  }
0x74: {  	_ =	shalt  }
0x75: {  	_ =	shalt  }
0x76: {  	_ =	shalt  }
0x77: {  	_ =	shalt  }
0x78: {  	_ =	shalt  }
0x79: {  	_ =	shalt  }
0x7a: {  	_ =	shalt  }
0x7b: {  	_ =	shalt  }
0x7c: {  	_ =	shalt  }
0x7d: {  	_ =	shalt  }
0x7e: {  	_ =	shalt  }
0x7f: {  	_ =	shalt  }
0x80: {  	_ =	shalt  }
0x81: {  	_ =	shalt  }
0x82: {  	_ =	shalt  }
0x83: {  	_ =	shalt  }
0x84: {  	_ =	shalt  }
0x85: {  	_ =	shalt  }
0x86: {  	_ =	shalt  }
0x87: {  	_ =	shalt  }
.Lfunc_end0:
.L_simem_size_0:
called_computation.1_lowered:
.L_overlay_start_0:
0x88: {  	s2 =	sld [smem:$0x3FD9]  }
0x89: {  	s3 =	sld [smem:$0x3FFE];
	_ =	sdelay $0x1  }
0x8a: {  	s1 =	srdreg.scid  }
0x8b: {  	s0 =	sand.u32 $0x1, s1  }
0x8c: {  	s17 =	sshll.u32 s0, $0xA;
	s2 =	sadd.s32 s3, s2  }
0x8d: {  	s2 =	sadd.s32 s2, s17  }
0x8e: {  	[smem:$0x3FBD] =	sst s2  }
0x8f: {  	_ = 	snop  }
0x90: {  	s2 =	sld [smem:$0x3FD0];
	(tm) =	ssettm $0x1  }
0x91: {  	s18 =	sld [smem:$0x3FFB];
	_ =	sdelay $0x3  }
0x92: {  	_ =	strace s18  }
0x93: {  	s3 =	sld [smem:$0x3FFC];
	_ =	sdelay $0x3  }
0x94: {  	_ =	strace s3  }
0x95: {  	s3 =	sld [smem:$0x3FFD];
	_ =	sdelay $0x3  }
0x96: {  	_ =	strace s3  }
0x97: {  	_ =	strace $0x8FFFFFFF  }
0x98: {  	s19 =	sld [smem:$0x3FDB];
	_ =	sdelay $0x1  }
0x99: {  	s4 =	simm.s32 $_scs_section_size  }
0x9a: {  	s5 =	simm.s32 $_size__tile_overlayer_lowered;
	s6 =	simm.s32 $_tile_overlayer_lowered  }
0x9b: {  	s22 =	simm.s32 $0x1BFF;
	s21 =	sshll.u32 s6, $0x1;
	s3 =	sadd.s32 s4, s19  }
0x9c: {  	s7 =	simm.s32 $0x0;
	s20 =	sshll.u32 s5, $0x1;
	s5 =	sadd.s32 s21, s3  }
0x9d: {  	[timem:s7], [sflag:s22] =	dma.local [hbm:s5], s20  }
0x9e: {  	_ =	swait.ge [sflag:s22], s20  }
0x9f: {  	s4 =	ssub.s32 $0x0, s20;
	[sflag:s22] =	ssyncset.done $0x0  }
0xa0: {  	[sflag:s22] =	ssyncadd.s32 s4;
	_ =	sdelay $0x1  }
0xa1: {  	s23 =	simm.s32 $0x1B8B  }
0xa2: {  	_ =	swait.ge [sflag:s23], $0x1  }
0xa3: {  	[sflag:s23] =	ssyncset.done $0x0  }
0xa4: {  	s25 =	simm.s32 $0x1B8E;
	s24 =	sld [smem:$0x3FFE];
	[sflag:s23] =	ssyncadd.s32 $0xFFFFFFFF  }
0xa5: {  	s26 =	simm.s32 $execute0_lowered;
	[smem:$0x3FD2] =	sst s25  }
0xa6: {  	s5 =	sshll.u32 s26, $0x1;
	_ =	strace $0x80000049;
	[dreg:$0x1] =	wrdreg $0xFFFFFFFF  }
0xa7: {  	s28 =	simm.s32 $_size_execute0_lowered;
	s3 =	sadd.s32 s3, s5;
	[dreg:$0x0] =	wrdreg $0x0  }
0xa8: {  	s5 =	sshll.u32 s28, $0x1;
	[dreg:$0x2] =	wrdreg s3  }
0xa9: {  	[dreg:$0x3] =	wrdreg s5  }
0xaa: {  	[dreg:$0x4] =	wrdreg $0xC0  }
0xab: {  	_ =	task [dreg:s7], $0x5FFFF  }
0xac: {  	[dreg:$0x1] =	wrdreg $0xFFFFFFFF  }
0xad: {  	[dreg:$0x0] =	wrdreg $0x60  }
0xae: {  	[dreg:$0x2] =	wrdreg s24  }
0xaf: {  	[dreg:$0x3] =	wrdreg s2  }
0xb0: {  	[dreg:$0x4] =	wrdreg $0x9  }
0xb1: {  	_ =	task.clear_ibuf [dreg:s7], $0x5FFFF;
	_ =	strace $0x90000049  }
0xb2: {  	s29 =	simm.s32 $0x9;
	_ =	strace $0x8000004B  }
0xb3: {  	_ =	swait.ge [sflag:s29], $0x1  }
0xb4: {  	[sflag:s29] =	ssyncadd.s32 $0xFFFFFFFF  }
0xb5: {  	_ =	strace $0x9000004B  }
0xb6: {  	_ =	sfence  }
0xb7: {  	s30 =	sld [smem:$0x0];
	_ =	sdelay $0x2  }
0xb8: {  	s31 =	sshll.u32 s1, $0xD;
	s1 =	sshrl.u32 s1, $0x2  }
0xb9: {  	s3 =	sand.u32 $0x4000, s31;
	s1 =	sadd.s32 s1, s30  }
0xba: {  	s0 =	sor.u32 s3, s0;
	s1 =	sshll.u32 s1, $0x11  }
0xbb: {  	s0 =	sor.u32 s1, s0  }
0xbc: {  	s0 =	sadd.s32 $0x8F2B, s0  }
0xbd: {  	[sflag:s0] =	ssyncadd.remote.s32 $0x1  }
0xbe: {  	_ =	sfence.sel $0xFFFF  }
0xbf: {  	[dreg:$0x0] =	wrdreg $0xFFFFFFFF;
	(pc) =	sbr.abs _section_cstart, $3  }
0xc0: {  	[dreg:$0x1] =	wrdreg $0xFFFFFFFF  }
0xc1: {  	_ =	task.clear_ibuf [dreg:s7], $0x2FFFF;
	_ =	strace $0x9FFFFFFF  }
0xc2: {  	(tm) =	ssettm $0x7FFFFFFF  }
0xc3: {  	_ =	shalt  }
tec
execute0_lowered:
.L_overlay_start_1:
0x0: {  	(tag) =	ssettag $0x1  }
0x1: {  	s5 =	rddreg [dreg:$0x0]  }
0x2: {  	s6 =	rddreg [dreg:$0x1]  }
0x3: {  	s0 =	rddreg [dreg:$0x2]  }
0x4: {  	s2 =	simm.s32 $0x0;
	s3 =	srdreg.scid;
	s1 =	stileid.u32  }
0x5: {  	s10 =	simm.s32 $0x900;
	s11 =	simm.s32 $0x1100;
	s12 =	simm.s32 $0x1900  }
0x6: {  	s13 =	simm.s32 $0x2100;
	s14 =	simm.s32 $0x2900;
	s15 =	simm.s32 $0x3100  }
0x7: {  	s16 =	simm.s32 $0x3900;
	s17 =	simm.s32 $0x4100;
	s18 =	simm.s32 $0x4900  }
0x8: {  	s19 =	simm.s32 $0x5100;
	s20 =	simm.s32 $0x5900;
	s21 =	simm.s32 $0x6100  }
0x9: {  	s22 =	simm.s32 $0x6900;
	s23 =	simm.s32 $0x7100;
	s24 =	simm.s32 $0x7900  }
0xa: {  	s25 =	simm.s32 $0x1;
	s26 =	simm.s32 $0x0;
	[smem:$0x7FF] =	sst s2  }
0xb: {  	s3 =	sand.u32 $0x1, s3;
	s4 =	sshll.u32 s1, $0x9;
	_ =	strace $0x8000004A  }
0xc: {  	s7 =	ssub.s32 $0x2, s3;
	s8 =	sshll.u32 s3, $0x8;
	s3 =	sadd.s32 $0x1E00, s5  }
0xd: {  	v2 =	vlaneseq.u32;
	s5 =	sadd.s32 $0x50000, s5;
	s9 =	sshrl.u32 s7, $0x1;
	s4 =	sor.u32 s8, s4  }
0xe: {  	vm0 =	vmmov $0xffff;
	v1 =	vshrl.u32 v2, $0x3;
	s7 =	ssub.s32 s7, s9;
	s8 =	sshrl.u32 s4, $0x3;
	s9 =	simm.s32 $0x100  }
0xf: {  	v0 =	vand.u32 $0x7, v2;
	v2 =	vor.u32 $0x8, v2;
	v1 =	vmul.u32 $0x8, v1;
	s6 =	sadd.s32 s6, s8;
	s7 =	smax.u32 s7, $0x1;
	s8 =	simm.s32 $0x2  }
.LBB2_1:
0x10: {  	[tilespmem:s2], [sflag:$0x2] =	stream.linear.gather [hbm4b:s6+s2], $0x100, $0x38;
	[tilespmem:$0x8100] =	vst v63  }
0x11: {  	_ =	swait.ge [sflag:s8], $0x100  }
0x12: {  	[sflag:s8] =	ssyncset.done $0x0  }
0x13: {  	p0 =	por $0x1, $0x1;
	s28 =	simm.s32 $0x0;
	[sflag:s8] =	ssyncadd.s32 $0xFFFFFF00  }
.LBB2_2:
0x14: {  	v3 =	vld [tilespmem:s28+$0x0];
	_ =	sdelay $0x4  }
0x15: {  	v4 =	vshll.u32 v3, $0x1  }
0x16: {  	v3 =	vand.u32 $0x7, v3;
	v4 =	vand.u32 $0xFFFFFFF0, v4  }
0x17: {  	v3 =	vor.u32 v3, v4  }
0x18: {  	v4 =	vperm.xlane v3, v0;
	_ =	sdelay $0x1  }
0x19: {  	v3 =	vperm.xlane v3, v2;
	v4 =	vadd.s32 v1, v4;
	_ =	sdelay $0x1  }
0x1a: {  	v3 =	vadd.s32 v1, v3;
	_ =	sdelay $0x2  }
0x1b: {  	[tilespmem:s9], [sflag:$0x1] =	stream.indirect_vreg.gather [hbm4b:s3+s2], $0x80, v4, vm0, $0xb8;
	[tilespmem:$0x8100] =	vst v63  }
0x1c: {  	_ = 	snop  }
0x1d: {  	[tilespmem:s10], [sflag:$0x1] =	stream.indirect_vreg.gather [hbm4b:s3+s2], $0x80, v3, vm0, $0xb8;
	[tilespmem:$0x8100] =	vst v63  }
0x1e: {  	v3 =	vld [tilespmem:s28+$0x10];
	_ =	sdelay $0x4  }
0x1f: {  	v57 =	vshll.u32 v3, $0x1  }
0x20: {  	v3 =	vand.u32 $0x7, v3;
	v4 =	vand.u32 $0xFFFFFFF0, v57  }
0x21: {  	v3 =	vor.u32 v3, v4  }
0x22: {  	v4 =	vperm.xlane v3, v0;
	_ =	sdelay $0x1  }
0x23: {  	v3 =	vperm.xlane v3, v2;
	v4 =	vadd.s32 v1, v4;
	_ =	sdelay $0x1  }
0x24: {  	v3 =	vadd.s32 v1, v3;
	_ =	sdelay $0x2  }
0x25: {  	[tilespmem:s11], [sflag:$0x1] =	stream.indirect_vreg.gather [hbm4b:s3+s2], $0x80, v4, vm0, $0xb8;
	[tilespmem:$0x8100] =	vst v63  }
0x26: {  	_ = 	snop  }
0x27: {  	[tilespmem:s12], [sflag:$0x1] =	stream.indirect_vreg.gather [hbm4b:s3+s2], $0x80, v3, vm0, $0xb8;
	[tilespmem:$0x8100] =	vst v63  }
0x28: {  	v3 =	vld [tilespmem:s28+$0x20];
	_ =	sdelay $0x4  }
0x29: {  	v58 =	vshll.u32 v3, $0x1  }
0x2a: {  	v3 =	vand.u32 $0x7, v3;
	v4 =	vand.u32 $0xFFFFFFF0, v58  }
0x2b: {  	v3 =	vor.u32 v3, v4  }
0x2c: {  	v4 =	vperm.xlane v3, v0;
	_ =	sdelay $0x1  }
0x2d: {  	v3 =	vperm.xlane v3, v2;
	v4 =	vadd.s32 v1, v4;
	_ =	sdelay $0x1  }
0x2e: {  	v3 =	vadd.s32 v1, v3;
	_ =	sdelay $0x2  }
0x2f: {  	[tilespmem:s13], [sflag:$0x1] =	stream.indirect_vreg.gather [hbm4b:s3+s2], $0x80, v4, vm0, $0xb8;
	[tilespmem:$0x8100] =	vst v63  }
0x30: {  	_ = 	snop  }
0x31: {  	[tilespmem:s14], [sflag:$0x1] =	stream.indirect_vreg.gather [hbm4b:s3+s2], $0x80, v3, vm0, $0xb8;
	[tilespmem:$0x8100] =	vst v63  }
0x32: {  	v3 =	vld [tilespmem:s28+$0x30];
	_ =	sdelay $0x4  }
0x33: {  	v59 =	vshll.u32 v3, $0x1  }
0x34: {  	v3 =	vand.u32 $0x7, v3;
	v4 =	vand.u32 $0xFFFFFFF0, v59  }
0x35: {  	v3 =	vor.u32 v3, v4  }
0x36: {  	v4 =	vperm.xlane v3, v0;
	_ =	sdelay $0x1  }
0x37: {  	v3 =	vperm.xlane v3, v2;
	v4 =	vadd.s32 v1, v4;
	_ =	sdelay $0x1  }
0x38: {  	v3 =	vadd.s32 v1, v3;
	_ =	sdelay $0x2  }
0x39: {  	[tilespmem:s15], [sflag:$0x1] =	stream.indirect_vreg.gather [hbm4b:s3+s2], $0x80, v4, vm0, $0xb8;
	[tilespmem:$0x8100] =	vst v63  }
0x3a: {  	_ = 	snop  }
0x3b: {  	[tilespmem:s16], [sflag:$0x1] =	stream.indirect_vreg.gather [hbm4b:s3+s2], $0x80, v3, vm0, $0xb8;
	[tilespmem:$0x8100] =	vst v63  }
0x3c: {  	v3 =	vld [tilespmem:s28+$0x40];
	_ =	sdelay $0x4  }
0x3d: {  	v60 =	vshll.u32 v3, $0x1  }
0x3e: {  	v3 =	vand.u32 $0x7, v3;
	v4 =	vand.u32 $0xFFFFFFF0, v60  }
0x3f: {  	v3 =	vor.u32 v3, v4  }
0x40: {  	v4 =	vperm.xlane v3, v0;
	_ =	sdelay $0x1  }
0x41: {  	v3 =	vperm.xlane v3, v2;
	v4 =	vadd.s32 v1, v4;
	_ =	sdelay $0x1  }
0x42: {  	v3 =	vadd.s32 v1, v3;
	_ =	sdelay $0x2  }
0x43: {  	[tilespmem:s17], [sflag:$0x1] =	stream.indirect_vreg.gather [hbm4b:s3+s2], $0x80, v4, vm0, $0xb8;
	[tilespmem:$0x8100] =	vst v63  }
0x44: {  	_ = 	snop  }
0x45: {  	[tilespmem:s18], [sflag:$0x1] =	stream.indirect_vreg.gather [hbm4b:s3+s2], $0x80, v3, vm0, $0xb8;
	[tilespmem:$0x8100] =	vst v63  }
0x46: {  	v3 =	vld [tilespmem:s28+$0x50];
	_ =	sdelay $0x4  }
0x47: {  	v61 =	vshll.u32 v3, $0x1  }
0x48: {  	v3 =	vand.u32 $0x7, v3;
	v4 =	vand.u32 $0xFFFFFFF0, v61  }
0x49: {  	v3 =	vor.u32 v3, v4  }
0x4a: {  	v4 =	vperm.xlane v3, v0;
	_ =	sdelay $0x1  }
0x4b: {  	v3 =	vperm.xlane v3, v2;
	v4 =	vadd.s32 v1, v4;
	_ =	sdelay $0x1  }
0x4c: {  	v3 =	vadd.s32 v1, v3;
	_ =	sdelay $0x2  }
0x4d: {  	[tilespmem:s19], [sflag:$0x1] =	stream.indirect_vreg.gather [hbm4b:s3+s2], $0x80, v4, vm0, $0xb8;
	[tilespmem:$0x8100] =	vst v63  }
0x4e: {  	_ = 	snop  }
0x4f: {  	[tilespmem:s20], [sflag:$0x1] =	stream.indirect_vreg.gather [hbm4b:s3+s2], $0x80, v3, vm0, $0xb8;
	[tilespmem:$0x8100] =	vst v63  }
0x50: {  	v3 =	vld [tilespmem:s28+$0x60];
	_ =	sdelay $0x4  }
0x51: {  	v62 =	vshll.u32 v3, $0x1  }
0x52: {  	v3 =	vand.u32 $0x7, v3;
	v4 =	vand.u32 $0xFFFFFFF0, v62  }
0x53: {  	v3 =	vor.u32 v3, v4  }
0x54: {  	v4 =	vperm.xlane v3, v0;
	_ =	sdelay $0x1  }
0x55: {  	v3 =	vperm.xlane v3, v2;
	v4 =	vadd.s32 v1, v4;
	_ =	sdelay $0x1  }
0x56: {  	v3 =	vadd.s32 v1, v3;
	_ =	sdelay $0x2  }
0x57: {  	[tilespmem:s21], [sflag:$0x1] =	stream.indirect_vreg.gather [hbm4b:s3+s2], $0x80, v4, vm0, $0xb8;
	[tilespmem:$0x8100] =	vst v63  }
0x58: {  	_ = 	snop  }
0x59: {  	[tilespmem:s22], [sflag:$0x1] =	stream.indirect_vreg.gather [hbm4b:s3+s2], $0x80, v3, vm0, $0xb8;
	[tilespmem:$0x8100] =	vst v63  }
0x5a: {  	v3 =	vld [tilespmem:s28+$0x70];
	_ =	sdelay $0x4  }
0x5b: {  	v63 =	vshll.u32 v3, $0x1  }
0x5c: {  	v3 =	vand.u32 $0x7, v3;
	v4 =	vand.u32 $0xFFFFFFF0, v63  }
0x5d: {  	v3 =	vor.u32 v3, v4  }
0x5e: {  	v4 =	vperm.xlane v3, v0;
	_ =	sdelay $0x1  }
0x5f: {  	v3 =	vperm.xlane v3, v2;
	v4 =	vadd.s32 v1, v4;
	_ =	sdelay $0x1  }
0x60: {  	v3 =	vadd.s32 v1, v3;
	_ =	sdelay $0x2  }
0x61: {  	[tilespmem:s23], [sflag:$0x1] =	stream.indirect_vreg.gather [hbm4b:s3+s2], $0x80, v4, vm0, $0xb8;
	[tilespmem:$0x8100] =	vst v63  }
0x62: {  	_ = 	snop  }
0x63: {  	[tilespmem:s24], [sflag:$0x1] =	stream.indirect_vreg.gather [hbm4b:s3+s2], $0x80, v3, vm0, $0xb8;
	[tilespmem:$0x8100] =	vst v63  }
0x64: {  	s28 =	sor.u32 s4, s28;
	_ =	swait.ge [sflag:s25], $0x8000  }
0x65: {  	p1 =	por p0, p0;
	s28 =	sshll.u32 s28, $0x5;
	[sflag:s25] =	ssyncset.done $0x0  }
.Ltmp0:
0x66: {  	s28 =	sadd.s32 s5, s28;
	[sflag:s25] =	ssyncadd.s32 $0xFFFF8000;
	(pc) =	sbr.rel @p1 .LBB2_2-.Ltmp0, $4  }
0x67: {  	[hbm4b:s28+s2] =	stream.linear.scatter [tilespmem:s9], [sflag:$0x2], $0x8000, $0x38;
	[tilespmem:$0x8100] =	vst v63  }
0x68: {  	_ =	swait.ge [sflag:s8], $0x8000  }
0x69: {  	[sflag:s8] =	ssyncset.done $0x0  }
0x6a: {  	p0 =	por $0x0, $0x0;
	s28 =	simm.s32 $0x80;
	[sflag:s8] =	ssyncadd.s32 $0xFFFF8000  }
0x6b: {  	s26 =	sadd.s32 $0x1, s26  }
0x6c: {  	p0 =	sne.s32 s26, s7  }
.Ltmp1:
0x6d: {  	_ = 	snop;
	(pc) =	sbr.rel @p0 .LBB2_1-.Ltmp1, $1  }
0x6e: {  	_ =	sdelay $0x3  }
0x6f: {  	_ =	sfence.sel $0x180000  }
0x70: {  	[bflag:$0x0] =	sbarrier.arrive $0xFFFF  }
0x71: {  	p0 =	sne.s32 s1, $0x0;
	_ =	strace $0x9000004A  }
0x72: {  	s0 =	sadd.s32 @!p0 $0x100000, s0;
	[bflag:$0x2] =	sbarrier.arrive $0xFFFF  }
0x73: {  	[sflag:s0] =	ssyncadd.tile.s32 @!p0 $0x1;
	_ =	shalt  }
.Lfunc_end2:
_tile_overlayer_lowered:
.L_overlay_start_2:
0x74: {  	(tag) =	ssettag $0x2  }
0x75: {  	s0 =	rddreg [dreg:$0x0];
	s2 =	stileid.u32  }
0x76: {  	s1 =	rddreg [dreg:$0x1];
	p0 =	sne.s32 s2, $0x0  }
0x77: {  	s3 =	rddreg [dreg:$0x2];
	[bflag:$0x3] =	sbarrier.arrive $0xFFFF;
	s2 =	simm.s32 @!p0 $0x1C02  }
0x78: {  	[timem:s3], [sflag:s2] =	dma.local @!p0 [hbm:s0], s1  }
0x79: {  	s0 =	simm.s32 @!p0 $0x2  }
0x7a: {  	_ =	swait.ge @!p0 [sflag:s0], s1  }
0x7b: {  	s1 =	ssub.s32 @!p0 $0x0, s1;
	[sflag:s0] =	ssyncset.done @!p0 $0x0  }
0x7c: {  	[sflag:s0] =	ssyncadd.s32 @!p0 s1  }
0x7d: {  	[bflag:$0x3] =	sbarrier.arrive $0xFFFF  }
0x7e: {  	_ =	shalt  }

</sc_bundles>
